<compile_context>
chip_gen: v7x
topology: tpu7x:2x2x1
jax: 0.10.2.dev20260603
libtpu: 0.0.44.dev20260713+nightly
codegen_flags: <defaults>
</compile_context>

<pallas_src>
import functools

import jax
import jax.numpy as jnp
from jax import lax
from jax.experimental import pallas as pl
from jax.experimental.pallas import tpu as pltpu
from jax.experimental.pallas import tpu_sc as plsc

_N = 50000
_E = 3200000
_NW = 32
_C = 1280
_NCHUNK = _E // _C
_NSLOT = 80
_NPAIR = _NSLOT // 2

_mesh = plsc.VectorSubcoreMesh(core_axis_name="c", subcore_axis_name="s")
_params = pltpu.CompilerParams(needs_layout_passes=False)


def _worker_id():
    return lax.axis_index("s") * 2 + lax.axis_index("c")


def _body(adj_hbm, sft_hbm, tabx_hbm, taby_hbm, tabz_hbm,
          sftx_hbm, sfty_hbm, sftz_hbm, rc2_hbm,
          adj_out_hbm, sod_hbm, part_hbm,
          tabA, tabB, sftx, sfty, sftz, rc2v,
          bw0, bs0, bp0, bw1, bs1, bp1,
          bd0, bo0, bd1, bo1,
          sin0, sin1, sout0, sout1):
    wid = _worker_id()
    pltpu.sync_copy(tabx_hbm, tabA)
    pltpu.sync_copy(taby_hbm, tabB)
    pltpu.sync_copy(sftx_hbm, sftx)
    pltpu.sync_copy(sfty_hbm, sfty)
    pltpu.sync_copy(sftz_hbm, sftz)
    pltpu.sync_copy(rc2_hbm, rc2v)
    rc2 = rc2v[...]
    neg1 = jnp.full((16,), -1, jnp.int32)

    ins = ((bw0, bs0, bp0, sin0), (bw1, bs1, bp1, sin1))
    outsA = ((bp0, sout0), (bp1, sout1))
    outsB = ((bd0, bo0, sout0), (bd1, bo1, sout1))

    def slot_base(t):
        return jnp.minimum(wid + 32 * t, _NCHUNK - 1) * _C

    def issue_in_a(s, b):
        bw, bs, _, sin = ins[s]
        pltpu.async_copy(adj_hbm.at[:, pl.ds(b, _C)], bw, sin)
        pltpu.async_copy(sft_hbm.at[pl.ds(b, _C)], bs, sin)

    def wait_in_a(s):
        bw, bs, _, sin = ins[s]
        pltpu.make_async_copy(adj_hbm.at[:, pl.ds(0, _C)], bw, sin).wait()
        pltpu.make_async_copy(sft_hbm.at[pl.ds(0, _C)], bs, sin).wait()

    def issue_in_b(s, b):
        _, _, bp, sin = ins[s]
        issue_in_a(s, b)
        pltpu.async_copy(part_hbm.at[pl.ds(b, _C)], bp, sin)

    def wait_in_b(s):
        _, _, bp, sin = ins[s]
        wait_in_a(s)
        pltpu.make_async_copy(part_hbm.at[pl.ds(0, _C)], bp, sin).wait()

    def compute_a(s):
        bw, bs, bp, _ = ins[s]

        @plsc.parallel_loop(0, _C, step=16, unroll=8)
        def _(o):
            iv = bw[0, pl.ds(o, 16)]
            jv = bw[1, pl.ds(o, 16)]
            sv = bs[pl.ds(o, 16)]
            xj = plsc.load_gather(tabA, [jv])
            xi = plsc.load_gather(tabA, [iv])
            yj = plsc.load_gather(tabB, [jv])
            yi = plsc.load_gather(tabB, [iv])
            tx = plsc.load_gather(sftx, [sv])
            ty = plsc.load_gather(sfty, [sv])
            dx = xj - xi + tx
            dy = yj - yi + ty
            bp[pl.ds(o, 16)] = dx * dx + dy * dy

    def issue_out_a(s, b):
        bp, sout = outsA[s]
        pltpu.async_copy(bp, part_hbm.at[pl.ds(b, _C)], sout)

    def wait_out_a(s):
        bp, sout = outsA[s]
        pltpu.make_async_copy(bp, part_hbm.at[pl.ds(0, _C)], sout).wait()

    issue_in_a(0, slot_base(0))

    def pair_a(t, carry):
        t0 = 2 * t
        issue_in_a(1, slot_base(t0 + 1))
        wait_in_a(0)

        @pl.when(t > 0)
        def _():
            wait_out_a(0)

        compute_a(0)
        issue_out_a(0, slot_base(t0))
        issue_in_a(0, slot_base(t0 + 2))
        wait_in_a(1)

        @pl.when(t > 0)
        def _():
            wait_out_a(1)

        compute_a(1)
        issue_out_a(1, slot_base(t0 + 1))
        return carry

    npair_w = jnp.where(wid < _NCHUNK - 32 * (_NSLOT - 2), _NPAIR,
                        _NPAIR - 1)
    lax.fori_loop(0, npair_w, pair_a, 0)
    wait_in_a(0)
    wait_out_a(0)
    wait_out_a(1)

    pltpu.sync_copy(tabz_hbm, tabA)

    def compute_b(s):
        bw, bs, bp, _ = ins[s]
        bd, bo, _ = outsB[s]

        @plsc.parallel_loop(0, _C, step=16, unroll=8)
        def _(o):
            iv = bw[0, pl.ds(o, 16)]
            jv = bw[1, pl.ds(o, 16)]
            sv = bs[pl.ds(o, 16)]
            pv = bp[pl.ds(o, 16)]
            zj = plsc.load_gather(tabA, [jv])
            zi = plsc.load_gather(tabA, [iv])
            tz = plsc.load_gather(sftz, [sv])
            dz = zj - zi + tz
            sod = pv + dz * dz
            m = sod <= rc2
            bd[pl.ds(o, 16)] = sod
            bo[0, pl.ds(o, 16)] = jnp.where(m, iv, neg1)
            bo[1, pl.ds(o, 16)] = jnp.where(m, jv, neg1)

    def issue_out_b(s, b):
        bd, bo, sout = outsB[s]
        pltpu.async_copy(bd, sod_hbm.at[pl.ds(b, _C)], sout)
        pltpu.async_copy(bo, adj_out_hbm.at[:, pl.ds(b, _C)], sout)

    def wait_out_b(s):
        bd, bo, sout = outsB[s]
        pltpu.make_async_copy(bd, sod_hbm.at[pl.ds(0, _C)], sout).wait()
        pltpu.make_async_copy(bo, adj_out_hbm.at[:, pl.ds(0, _C)],
                              sout).wait()

    issue_in_b(0, slot_base(0))

    def pair_b(t, carry):
        t0 = 2 * t
        issue_in_b(1, slot_base(t0 + 1))
        wait_in_b(0)

        @pl.when(t > 0)
        def _():
            wait_out_b(0)

        compute_b(0)
        issue_out_b(0, slot_base(t0))
        issue_in_b(0, slot_base(t0 + 2))
        wait_in_b(1)

        @pl.when(t > 0)
        def _():
            wait_out_b(1)

        compute_b(1)
        issue_out_b(1, slot_base(t0 + 1))
        return carry

    lax.fori_loop(0, npair_w, pair_b, 0)
    wait_in_b(0)
    wait_out_b(0)
    wait_out_b(1)


_run = functools.partial(
    pl.kernel,
    out_type=(jax.ShapeDtypeStruct((2, _E), jnp.int32),
              jax.ShapeDtypeStruct((_E,), jnp.float32),
              jax.ShapeDtypeStruct((_E,), jnp.float32)),
    mesh=_mesh,
    compiler_params=_params,
    scratch_types=(
        [pltpu.VMEM((_N,), jnp.float32)] * 2
        + [pltpu.VMEM((32,), jnp.float32)] * 3
        + [pltpu.VMEM((16,), jnp.float32)]
        + [pltpu.VMEM((2, _C), jnp.int32), pltpu.VMEM((_C,), jnp.int32),
           pltpu.VMEM((_C,), jnp.float32)]
        + [pltpu.VMEM((2, _C), jnp.int32), pltpu.VMEM((_C,), jnp.int32),
           pltpu.VMEM((_C,), jnp.float32)]
        + [pltpu.VMEM((_C,), jnp.float32), pltpu.VMEM((2, _C), jnp.int32)]
        + [pltpu.VMEM((_C,), jnp.float32), pltpu.VMEM((2, _C), jnp.int32)]
        + [pltpu.SemaphoreType.DMA] * 4
    ),
)(_body)


def kernel(pos_xyz, cel_mat, sft_cel, spc, adj_ij, sft_idx, rc):
    cel = cel_mat[0]
    pos = pos_xyz[0] + spc[0].astype(jnp.float32) @ cel
    sftm = sft_cel @ cel
    sft_pad = jnp.pad(sftm, ((0, 5), (0, 0)))
    rc_f = jnp.asarray(rc, jnp.float32)
    rc2v = jnp.full((16,), rc_f * rc_f, jnp.float32)

    tabx = jnp.copy(pos[:, 0])
    taby = jnp.copy(pos[:, 1])
    tabz = jnp.copy(pos[:, 2])
    sftx = jnp.copy(sft_pad[:, 0])
    sfty = jnp.copy(sft_pad[:, 1])
    sftz = jnp.copy(sft_pad[:, 2])

    adj_out, sod, _unused_part = _run(
        adj_ij, sft_idx, tabx, taby, tabz, sftx, sfty, sftz, rc2v)
    return adj_out, sod

# --- scband reference (transcript-rebuilt; emitter-appended) ---
"""Pipeline reference for scband-coo2-book-keeping-28278064676905 (READ-ONLY COPY).

The authoritative reference and input builder live on the scoring server;
editing this copy changes nothing except your own understanding.
"""

import jax, jax.numpy as jnp
import numpy as np

N = 50000
E = 3200000
NSFT = 27
RC = 0.5

def setup_inputs(seed: int = 0) -> dict:
    key = jax.random.key(seed)
    k1, k2, k3, k4 = jax.random.split(key, 4)
    pos_xyz = jax.random.uniform(k1, (1, N, 3), dtype=jnp.float32)
    cel_mat = jax.random.uniform(k2, (1, 3, 3), dtype=jnp.float32)
    g = np.stack(np.meshgrid([-1, 0, 1], [-1, 0, 1], [-1, 0, 1], indexing='ij'), axis=-1).reshape(-1, 3)
    sft_cel = jnp.asarray(g, dtype=jnp.float32)
    spc = jnp.zeros((1, N, 3), dtype=jnp.int32)
    adj_ij = jax.random.randint(k3, (2, E), 0, N, dtype=jnp.int32)
    sft_idx = jax.random.randint(k4, (E,), 0, NSFT, dtype=jnp.int32)
    return {"pos_xyz": pos_xyz, "cel_mat": cel_mat, "sft_cel": sft_cel, "spc": spc, "adj_ij": adj_ij, "sft_idx": sft_idx, "rc": RC}

def reference(pos_xyz, cel_mat, sft_cel, spc, adj_ij, sft_idx, rc):
    # Faithful translation of coo2_adj_vec_sod applied to the cached AdjSftSpc:
    # for each cached candidate pair (i, j, shift), compute the minimum-image
    # displacement vector vec = pos[j] - pos[i] + (sft[s] + spc[j] - spc[i]) @ cel,
    # the squared distance sod = |vec|^2, and keep pairs with sod <= rc^2.
    # Instead of dynamically compacting (data-dependent shape), invalid pairs are
    # marked with -1 in the returned adjacency (same information content).
    i = adj_ij[0]
    j = adj_ij[1]
    dspc = (jnp.take(spc[0], j, axis=0) - jnp.take(spc[0], i, axis=0)).astype(jnp.float32)
    shift_units = jnp.take(sft_cel, sft_idx, axis=0) + dspc
    shift_xyz = shift_units @ cel_mat[0]
    vec = jnp.take(pos_xyz[0], j, axis=0) - jnp.take(pos_xyz[0], i, axis=0) + shift_xyz
    sod = jnp.sum(vec * vec, axis=-1)
    mask = sod <= rc * rc
    adj_out = jnp.where(mask[None, :], adj_ij, -1)
    return adj_out, sod

if __name__ == "__main__":
    import jax
    _d = setup_inputs()
    print(jax.jit(kernel)(*tuple(_d.values())))

</pallas_src>

<mosaic_0001>
#map = affine_map<(d0, d1) -> (0, 0)>
#map1 = affine_map<(d0, d1) -> (0)>
module attributes {stable_mosaic.version = 14 : i64} {
  func.func @_body(%arg0: i32, %arg1: i32, %arg2: memref<2x3200000xi32, #tpu.memory_space<hbm>>, %arg3: memref<3200000xi32, #tpu.memory_space<hbm>>, %arg4: memref<50000xf32, #tpu.memory_space<hbm>>, %arg5: memref<50000xf32, #tpu.memory_space<hbm>>, %arg6: memref<50000xf32, #tpu.memory_space<hbm>>, %arg7: memref<32xf32, #tpu.memory_space<hbm>>, %arg8: memref<32xf32, #tpu.memory_space<hbm>>, %arg9: memref<32xf32, #tpu.memory_space<hbm>>, %arg10: memref<16xf32, #tpu.memory_space<hbm>>, %arg11: memref<2x3200000xi32, #tpu.memory_space<hbm>>, %arg12: memref<3200000xf32, #tpu.memory_space<hbm>>, %arg13: memref<3200000xf32, #tpu.memory_space<hbm>>, %arg14: memref<50000xf32, #tpu.memory_space<vmem>>, %arg15: memref<50000xf32, #tpu.memory_space<vmem>>, %arg16: memref<32xf32, #tpu.memory_space<vmem>>, %arg17: memref<32xf32, #tpu.memory_space<vmem>>, %arg18: memref<32xf32, #tpu.memory_space<vmem>>, %arg19: memref<16xf32, #tpu.memory_space<vmem>>, %arg20: memref<2x1280xi32, #tpu.memory_space<vmem>>, %arg21: memref<1280xi32, #tpu.memory_space<vmem>>, %arg22: memref<1280xf32, #tpu.memory_space<vmem>>, %arg23: memref<2x1280xi32, #tpu.memory_space<vmem>>, %arg24: memref<1280xi32, #tpu.memory_space<vmem>>, %arg25: memref<1280xf32, #tpu.memory_space<vmem>>, %arg26: memref<1280xf32, #tpu.memory_space<vmem>>, %arg27: memref<2x1280xi32, #tpu.memory_space<vmem>>, %arg28: memref<1280xf32, #tpu.memory_space<vmem>>, %arg29: memref<2x1280xi32, #tpu.memory_space<vmem>>, %arg30: memref<!tpu.dma_semaphore, #tpu.memory_space<semaphore_mem>>, %arg31: memref<!tpu.dma_semaphore, #tpu.memory_space<semaphore_mem>>, %arg32: memref<!tpu.dma_semaphore, #tpu.memory_space<semaphore_mem>>, %arg33: memref<!tpu.dma_semaphore, #tpu.memory_space<semaphore_mem>>) attributes {dimension_semantics = [#tpu.dimension_semantics<core_parallel>, #tpu.dimension_semantics<subcore_parallel>], iteration_bounds = array<i64: 2, 16>, scalar_prefetch = 0 : i64, scratch_operands = 20 : i64, tpu.core_type = #tpu.core_type<sc_vector_subcore>, window_params = [{transform_indices = #map}, {transform_indices = #map1}, {transform_indices = #map1}, {transform_indices = #map1}, {transform_indices = #map1}, {transform_indices = #map1}, {transform_indices = #map1}, {transform_indices = #map1}, {transform_indices = #map1}, {transform_indices = #map}, {transform_indices = #map1}, {transform_indices = #map1}]} {
    %mul3A = arith.constant 2 : i32
    %mul3A_0 = arith.muli %arg1, %mul3A : i32
    %add3A = arith.addi %mul3A_0, %arg0 : i32
    "tpu.region"() ({
      %run_scoped3A = tpu.sem_alloc : memref<!tpu.dma_semaphore, #tpu.memory_space<semaphore_mem>>
      tpu.enqueue_dma source(%arg4 : memref<50000xf32, #tpu.memory_space<hbm>>) target(%arg14 : memref<50000xf32, #tpu.memory_space<vmem>>) target_semaphore(%run_scoped3A : memref<!tpu.dma_semaphore, #tpu.memory_space<semaphore_mem>>)
      tpu.wait_dma2 semaphore(%run_scoped3A : memref<!tpu.dma_semaphore, #tpu.memory_space<semaphore_mem>>) src(%arg4 : memref<50000xf32, #tpu.memory_space<hbm>>) dst(%arg14 : memref<50000xf32, #tpu.memory_space<vmem>>)
      tpu.yield
    }) : () -> ()
    "tpu.region"() ({
      %run_scoped3A = tpu.sem_alloc : memref<!tpu.dma_semaphore, #tpu.memory_space<semaphore_mem>>
      tpu.enqueue_dma source(%arg5 : memref<50000xf32, #tpu.memory_space<hbm>>) target(%arg15 : memref<50000xf32, #tpu.memory_space<vmem>>) target_semaphore(%run_scoped3A : memref<!tpu.dma_semaphore, #tpu.memory_space<semaphore_mem>>)
      tpu.wait_dma2 semaphore(%run_scoped3A : memref<!tpu.dma_semaphore, #tpu.memory_space<semaphore_mem>>) src(%arg5 : memref<50000xf32, #tpu.memory_space<hbm>>) dst(%arg15 : memref<50000xf32, #tpu.memory_space<vmem>>)
      tpu.yield
    }) : () -> ()
    "tpu.region"() ({
      %run_scoped3A = tpu.sem_alloc : memref<!tpu.dma_semaphore, #tpu.memory_space<semaphore_mem>>
      tpu.enqueue_dma source(%arg7 : memref<32xf32, #tpu.memory_space<hbm>>) target(%arg16 : memref<32xf32, #tpu.memory_space<vmem>>) target_semaphore(%run_scoped3A : memref<!tpu.dma_semaphore, #tpu.memory_space<semaphore_mem>>)
      tpu.wait_dma2 semaphore(%run_scoped3A : memref<!tpu.dma_semaphore, #tpu.memory_space<semaphore_mem>>) src(%arg7 : memref<32xf32, #tpu.memory_space<hbm>>) dst(%arg16 : memref<32xf32, #tpu.memory_space<vmem>>)
      tpu.yield
    }) : () -> ()
    "tpu.region"() ({
      %run_scoped3A = tpu.sem_alloc : memref<!tpu.dma_semaphore, #tpu.memory_space<semaphore_mem>>
      tpu.enqueue_dma source(%arg8 : memref<32xf32, #tpu.memory_space<hbm>>) target(%arg17 : memref<32xf32, #tpu.memory_space<vmem>>) target_semaphore(%run_scoped3A : memref<!tpu.dma_semaphore, #tpu.memory_space<semaphore_mem>>)
      tpu.wait_dma2 semaphore(%run_scoped3A : memref<!tpu.dma_semaphore, #tpu.memory_space<semaphore_mem>>) src(%arg8 : memref<32xf32, #tpu.memory_space<hbm>>) dst(%arg17 : memref<32xf32, #tpu.memory_space<vmem>>)
      tpu.yield
    }) : () -> ()
    "tpu.region"() ({
      %run_scoped3A = tpu.sem_alloc : memref<!tpu.dma_semaphore, #tpu.memory_space<semaphore_mem>>
      tpu.enqueue_dma source(%arg9 : memref<32xf32, #tpu.memory_space<hbm>>) target(%arg18 : memref<32xf32, #tpu.memory_space<vmem>>) target_semaphore(%run_scoped3A : memref<!tpu.dma_semaphore, #tpu.memory_space<semaphore_mem>>)
      tpu.wait_dma2 semaphore(%run_scoped3A : memref<!tpu.dma_semaphore, #tpu.memory_space<semaphore_mem>>) src(%arg9 : memref<32xf32, #tpu.memory_space<hbm>>) dst(%arg18 : memref<32xf32, #tpu.memory_space<vmem>>)
      tpu.yield
    }) : () -> ()
    "tpu.region"() ({
      %run_scoped3A = tpu.sem_alloc : memref<!tpu.dma_semaphore, #tpu.memory_space<semaphore_mem>>
      tpu.enqueue_dma source(%arg10 : memref<16xf32, #tpu.memory_space<hbm>>) target(%arg19 : memref<16xf32, #tpu.memory_space<vmem>>) target_semaphore(%run_scoped3A : memref<!tpu.dma_semaphore, #tpu.memory_space<semaphore_mem>>)
      tpu.wait_dma2 semaphore(%run_scoped3A : memref<!tpu.dma_semaphore, #tpu.memory_space<semaphore_mem>>) src(%arg10 : memref<16xf32, #tpu.memory_space<hbm>>) dst(%arg19 : memref<16xf32, #tpu.memory_space<vmem>>)
      tpu.yield
    }) : () -> ()
    %get3A = arith.constant 0 : index
    %get3A_1 = tpu.vector_load %arg19[%get3A] {strides = array<i32>} : memref<16xf32, #tpu.memory_space<vmem>>, vector<16xf32>,
    %broadcast_in_dim3A = arith.constant -1 : i32
    %broadcast_in_dim3A_2 = vector.broadcast %broadcast_in_dim3A : i32 to vector<16xi32>
    %add3A_3 = arith.constant 0 : i32
    %add3A_4 = arith.addi %add3A, %add3A_3 : i32
    %min3A = arith.constant 2499 : i32
    %min3A_5 = arith.minsi %add3A_4, %min3A : i32
    %mul3A_6 = arith.constant 1280 : i32
    %mul3A_7 = arith.muli %min3A_5, %mul3A_6 : i32
    %dma_start3A = arith.constant 0 : i32
    %dma_start3A_8 = tpu.memref_slice %arg2[%dma_start3A, %mul3A_7] : memref<2x3200000xi32, #tpu.memory_space<hbm>> -> memref<2x1280xi32, #tpu.memory_space<hbm>>
    %dma_start3A_9 = arith.constant 0 : i32
    %dma_start3A_10 = tpu.memref_slice %arg2[%dma_start3A_9, %mul3A_7] : memref<2x3200000xi32, #tpu.memory_space<hbm>> -> memref<2x1280xi32, #tpu.memory_space<hbm>>
    tpu.enqueue_dma source(%dma_start3A_10 : memref<2x1280xi32, #tpu.memory_space<hbm>>) target(%arg20 : memref<2x1280xi32, #tpu.memory_space<vmem>>) target_semaphore(%arg30 : memref<!tpu.dma_semaphore, #tpu.memory_space<semaphore_mem>>)
    %dma_start3A_11 = tpu.memref_slice %arg3[%mul3A_7] : memref<3200000xi32, #tpu.memory_space<hbm>> -> memref<1280xi32, #tpu.memory_space<hbm>>
    %dma_start3A_12 = tpu.memref_slice %arg3[%mul3A_7] : memref<3200000xi32, #tpu.memory_space<hbm>> -> memref<1280xi32, #tpu.memory_space<hbm>>
    tpu.enqueue_dma source(%dma_start3A_12 : memref<1280xi32, #tpu.memory_space<hbm>>) target(%arg21 : memref<1280xi32, #tpu.memory_space<vmem>>) target_semaphore(%arg30 : memref<!tpu.dma_semaphore, #tpu.memory_space<semaphore_mem>>)
    %lt3A = arith.constant 4 : i32
    %lt3A_13 = arith.cmpi slt, %add3A, %lt3A : i32
    %jit3A = arith.constant 40 : i32
    %jit3A_14 = arith.constant 39 : i32
    %select_n3A = arith.select %lt3A_13, %jit3A, %jit3A_14 : i32
    %while3A = arith.constant 0 : i32
    %while3A_15 = arith.constant 0 : i32
    %while3A_16 = arith.subi %select_n3A, %while3A_15 : i32
    %while3A_17 = arith.addi %while3A_15, %while3A_16 : i32
    %while3A_18 = arith.constant 1 : i32
    %while3A_19 = arith.divsi %while3A_16, %while3A_18 : i32
    %while3A_20 = arith.muli %while3A_19, %while3A_18 : i32
    %while3A_21 = arith.addi %while3A_15, %while3A_20 : i32
    %while3A_22 = arith.constant 1 : i32
    scf.for %while3A_99 = %while3A_15 to %while3A_21 step %while3A_22  : i32 {
      %mul3A_100 = arith.constant 2 : i32
      %mul3A_101 = arith.muli %mul3A_100, %while3A_99 : i32
      %add3A_102 = arith.constant 1 : i32
      %add3A_103 = arith.addi %mul3A_101, %add3A_102 : i32
      %mul3A_104 = arith.constant 32 : i32
      %mul3A_105 = arith.muli %mul3A_104, %add3A_103 : i32
      %add3A_106 = arith.addi %add3A, %mul3A_105 : i32
      %min3A_107 = arith.constant 2499 : i32
      %min3A_108 = arith.minsi %add3A_106, %min3A_107 : i32
      %mul3A_109 = arith.constant 1280 : i32
      %mul3A_110 = arith.muli %min3A_108, %mul3A_109 : i32
      %dma_start3A_111 = arith.constant 0 : i32
      %dma_start3A_112 = tpu.memref_slice %arg2[%dma_start3A_111, %mul3A_110] : memref<2x3200000xi32, #tpu.memory_space<hbm>> -> memref<2x1280xi32, #tpu.memory_space<hbm>>
      %dma_start3A_113 = arith.constant 0 : i32
      %dma_start3A_114 = tpu.memref_slice %arg2[%dma_start3A_113, %mul3A_110] : memref<2x3200000xi32, #tpu.memory_space<hbm>> -> memref<2x1280xi32, #tpu.memory_space<hbm>>
      tpu.enqueue_dma source(%dma_start3A_114 : memref<2x1280xi32, #tpu.memory_space<hbm>>) target(%arg23 : memref<2x1280xi32, #tpu.memory_space<vmem>>) target_semaphore(%arg31 : memref<!tpu.dma_semaphore, #tpu.memory_space<semaphore_mem>>)
      %dma_start3A_115 = tpu.memref_slice %arg3[%mul3A_110] : memref<3200000xi32, #tpu.memory_space<hbm>> -> memref<1280xi32, #tpu.memory_space<hbm>>
      %dma_start3A_116 = tpu.memref_slice %arg3[%mul3A_110] : memref<3200000xi32, #tpu.memory_space<hbm>> -> memref<1280xi32, #tpu.memory_space<hbm>>
      tpu.enqueue_dma source(%dma_start3A_116 : memref<1280xi32, #tpu.memory_space<hbm>>) target(%arg24 : memref<1280xi32, #tpu.memory_space<vmem>>) target_semaphore(%arg31 : memref<!tpu.dma_semaphore, #tpu.memory_space<semaphore_mem>>)
      %dma_wait3A_117 = arith.constant 0 : i32
      %dma_wait3A_118 = arith.constant 0 : i32
      %dma_wait3A_119 = tpu.memref_slice %arg2[%dma_wait3A_117, %dma_wait3A_118] : memref<2x3200000xi32, #tpu.memory_space<hbm>> -> memref<2x1280xi32, #tpu.memory_space<hbm>>
      %dma_wait3A_120 = arith.constant 0 : i32
      %dma_wait3A_121 = arith.constant 0 : i32
      %dma_wait3A_122 = tpu.memref_slice %arg2[%dma_wait3A_120, %dma_wait3A_121] : memref<2x3200000xi32, #tpu.memory_space<hbm>> -> memref<2x1280xi32, #tpu.memory_space<hbm>>
      tpu.wait_dma2 semaphore(%arg30 : memref<!tpu.dma_semaphore, #tpu.memory_space<semaphore_mem>>) src(%dma_wait3A_122 : memref<2x1280xi32, #tpu.memory_space<hbm>>) dst(%arg20 : memref<2x1280xi32, #tpu.memory_space<vmem>>)
      %dma_wait3A_123 = arith.constant 0 : i32
      %dma_wait3A_124 = tpu.memref_slice %arg3[%dma_wait3A_123] : memref<3200000xi32, #tpu.memory_space<hbm>> -> memref<1280xi32, #tpu.memory_space<hbm>>
      %dma_wait3A_125 = arith.constant 0 : i32
      %dma_wait3A_126 = tpu.memref_slice %arg3[%dma_wait3A_125] : memref<3200000xi32, #tpu.memory_space<hbm>> -> memref<1280xi32, #tpu.memory_space<hbm>>
      tpu.wait_dma2 semaphore(%arg30 : memref<!tpu.dma_semaphore, #tpu.memory_space<semaphore_mem>>) src(%dma_wait3A_126 : memref<1280xi32, #tpu.memory_space<hbm>>) dst(%arg21 : memref<1280xi32, #tpu.memory_space<vmem>>)
      %gt3A = arith.constant 0 : i32
      %gt3A_127 = arith.cmpi sgt, %while3A_99, %gt3A : i32
      %convert_element_type3A = arith.extui %gt3A_127 : i1 to i32
      %cond3A = arith.constant 0 : i32
      %cond3A_128 = arith.cmpi ne, %convert_element_type3A, %cond3A : i32
      scf.if %cond3A_128 {
        %dma_wait3A_184 = arith.constant 0 : i32
        %dma_wait3A_185 = tpu.memref_slice %arg13[%dma_wait3A_184] : memref<3200000xf32, #tpu.memory_space<hbm>> -> memref<1280xf32, #tpu.memory_space<hbm>>
        %dma_wait3A_186 = arith.constant 0 : i32
        %dma_wait3A_187 = tpu.memref_slice %arg13[%dma_wait3A_186] : memref<3200000xf32, #tpu.memory_space<hbm>> -> memref<1280xf32, #tpu.memory_space<hbm>>
        tpu.wait_dma2 semaphore(%arg32 : memref<!tpu.dma_semaphore, #tpu.memory_space<semaphore_mem>>) src(%arg22 : memref<1280xf32, #tpu.memory_space<vmem>>) dst(%dma_wait3A_187 : memref<1280xf32, #tpu.memory_space<hbm>>)
      } else {
      }
      %parallel_loop3A = arith.constant 0 : i32
      %parallel_loop3A_129 = arith.constant 1280 : i32
      %parallel_loop3A_130 = arith.constant 16 : i32
      scf.for %parallel_loop3A_184 = %parallel_loop3A to %parallel_loop3A_129 step %parallel_loop3A_130  : i32 {
        %parallel_loop3A_185 = arith.constant 0 : i32
        %parallel_loop3A_186 = arith.index_cast %parallel_loop3A_185 : i32 to index
        %parallel_loop3A_187 = arith.index_cast %parallel_loop3A_184 : i32 to index
        %parallel_loop3A_188 = tpu.vector_load %arg20[%parallel_loop3A_186, %parallel_loop3A_187] {strides = array<i32>} : memref<2x1280xi32, #tpu.memory_space<vmem>>, vector<16xi32>,
        %parallel_loop3A_189 = arith.constant 1 : i32
        %parallel_loop3A_190 = arith.index_cast %parallel_loop3A_189 : i32 to index
        %parallel_loop3A_191 = arith.index_cast %parallel_loop3A_184 : i32 to index
        %parallel_loop3A_192 = tpu.vector_load %arg20[%parallel_loop3A_190, %parallel_loop3A_191] {strides = array<i32>} : memref<2x1280xi32, #tpu.memory_space<vmem>>, vector<16xi32>,
        %parallel_loop3A_193 = arith.index_cast %parallel_loop3A_184 : i32 to index
        %parallel_loop3A_194 = tpu.vector_load %arg21[%parallel_loop3A_193] {strides = array<i32>} : memref<1280xi32, #tpu.memory_space<vmem>>, vector<16xi32>,
        %parallel_loop3A_195 = tpu.vector_load_idx %arg14[%parallel_loop3A_192] : memref<50000xf32, #tpu.memory_space<vmem>>[vector<16xi32>], vector<16xf32>,
        %parallel_loop3A_196 = tpu.vector_load_idx %arg14[%parallel_loop3A_188] : memref<50000xf32, #tpu.memory_space<vmem>>[vector<16xi32>], vector<16xf32>,
        %parallel_loop3A_197 = tpu.vector_load_idx %arg15[%parallel_loop3A_192] : memref<50000xf32, #tpu.memory_space<vmem>>[vector<16xi32>], vector<16xf32>,
        %parallel_loop3A_198 = tpu.vector_load_idx %arg15[%parallel_loop3A_188] : memref<50000xf32, #tpu.memory_space<vmem>>[vector<16xi32>], vector<16xf32>,
        %parallel_loop3A_199 = tpu.vector_load_idx %arg16[%parallel_loop3A_194] : memref<32xf32, #tpu.memory_space<vmem>>[vector<16xi32>], vector<16xf32>,
        %parallel_loop3A_200 = tpu.vector_load_idx %arg17[%parallel_loop3A_194] : memref<32xf32, #tpu.memory_space<vmem>>[vector<16xi32>], vector<16xf32>,
        %parallel_loop3A_201 = arith.subf %parallel_loop3A_195, %parallel_loop3A_196 : vector<16xf32>
        %parallel_loop3A_202 = arith.addf %parallel_loop3A_201, %parallel_loop3A_199 : vector<16xf32>
        %parallel_loop3A_203 = arith.subf %parallel_loop3A_197, %parallel_loop3A_198 : vector<16xf32>
        %parallel_loop3A_204 = arith.addf %parallel_loop3A_203, %parallel_loop3A_200 : vector<16xf32>
        %parallel_loop3A_205 = arith.mulf %parallel_loop3A_202, %parallel_loop3A_202 : vector<16xf32>
        %parallel_loop3A_206 = arith.mulf %parallel_loop3A_204, %parallel_loop3A_204 : vector<16xf32>
        %parallel_loop3A_207 = arith.addf %parallel_loop3A_205, %parallel_loop3A_206 : vector<16xf32>
        %parallel_loop3A_208 = arith.index_cast %parallel_loop3A_184 : i32 to index
        %parallel_loop3A_209 = tpu.vector_load %arg22[%parallel_loop3A_208] {strides = array<i32>} : memref<1280xf32, #tpu.memory_space<vmem>>, vector<16xf32>,
        tpu.vector_store %arg22[%parallel_loop3A_208], %parallel_loop3A_207 {strides = array<i32>} : memref<1280xf32, #tpu.memory_space<vmem>>, vector<16xf32>,
      } {sc.loop_unroll_factor = 8 : i64, sc.parallel_access}
      %mul3A_131 = arith.constant 32 : i32
      %mul3A_132 = arith.muli %mul3A_131, %mul3A_101 : i32
      %add3A_133 = arith.addi %add3A, %mul3A_132 : i32
      %min3A_134 = arith.constant 2499 : i32
      %min3A_135 = arith.minsi %add3A_133, %min3A_134 : i32
      %mul3A_136 = arith.constant 1280 : i32
      %mul3A_137 = arith.muli %min3A_135, %mul3A_136 : i32
      %dma_start3A_138 = tpu.memref_slice %arg13[%mul3A_137] : memref<3200000xf32, #tpu.memory_space<hbm>> -> memref<1280xf32, #tpu.memory_space<hbm>>
      %dma_start3A_139 = tpu.memref_slice %arg13[%mul3A_137] : memref<3200000xf32, #tpu.memory_space<hbm>> -> memref<1280xf32, #tpu.memory_space<hbm>>
      tpu.enqueue_dma source(%arg22 : memref<1280xf32, #tpu.memory_space<vmem>>) target(%dma_start3A_139 : memref<1280xf32, #tpu.memory_space<hbm>>) target_semaphore(%arg32 : memref<!tpu.dma_semaphore, #tpu.memory_space<semaphore_mem>>)
      %add3A_140 = arith.constant 2 : i32
      %add3A_141 = arith.addi %mul3A_101, %add3A_140 : i32
      %mul3A_142 = arith.constant 32 : i32
      %mul3A_143 = arith.muli %mul3A_142, %add3A_141 : i32
      %add3A_144 = arith.addi %add3A, %mul3A_143 : i32
      %min3A_145 = arith.constant 2499 : i32
      %min3A_146 = arith.minsi %add3A_144, %min3A_145 : i32
      %mul3A_147 = arith.constant 1280 : i32
      %mul3A_148 = arith.muli %min3A_146, %mul3A_147 : i32
      %dma_start3A_149 = arith.constant 0 : i32
      %dma_start3A_150 = tpu.memref_slice %arg2[%dma_start3A_149, %mul3A_148] : memref<2x3200000xi32, #tpu.memory_space<hbm>> -> memref<2x1280xi32, #tpu.memory_space<hbm>>
      %dma_start3A_151 = arith.constant 0 : i32
      %dma_start3A_152 = tpu.memref_slice %arg2[%dma_start3A_151, %mul3A_148] : memref<2x3200000xi32, #tpu.memory_space<hbm>> -> memref<2x1280xi32, #tpu.memory_space<hbm>>
      tpu.enqueue_dma source(%dma_start3A_152 : memref<2x1280xi32, #tpu.memory_space<hbm>>) target(%arg20 : memref<2x1280xi32, #tpu.memory_space<vmem>>) target_semaphore(%arg30 : memref<!tpu.dma_semaphore, #tpu.memory_space<semaphore_mem>>)
      %dma_start3A_153 = tpu.memref_slice %arg3[%mul3A_148] : memref<3200000xi32, #tpu.memory_space<hbm>> -> memref<1280xi32, #tpu.memory_space<hbm>>
      %dma_start3A_154 = tpu.memref_slice %arg3[%mul3A_148] : memref<3200000xi32, #tpu.memory_space<hbm>> -> memref<1280xi32, #tpu.memory_space<hbm>>
      tpu.enqueue_dma source(%dma_start3A_154 : memref<1280xi32, #tpu.memory_space<hbm>>) target(%arg21 : memref<1280xi32, #tpu.memory_space<vmem>>) target_semaphore(%arg30 : memref<!tpu.dma_semaphore, #tpu.memory_space<semaphore_mem>>)
      %dma_wait3A_155 = arith.constant 0 : i32
      %dma_wait3A_156 = arith.constant 0 : i32
      %dma_wait3A_157 = tpu.memref_slice %arg2[%dma_wait3A_155, %dma_wait3A_156] : memref<2x3200000xi32, #tpu.memory_space<hbm>> -> memref<2x1280xi32, #tpu.memory_space<hbm>>
      %dma_wait3A_158 = arith.constant 0 : i32
      %dma_wait3A_159 = arith.constant 0 : i32
      %dma_wait3A_160 = tpu.memref_slice %arg2[%dma_wait3A_158, %dma_wait3A_159] : memref<2x3200000xi32, #tpu.memory_space<hbm>> -> memref<2x1280xi32, #tpu.memory_space<hbm>>
      tpu.wait_dma2 semaphore(%arg31 : memref<!tpu.dma_semaphore, #tpu.memory_space<semaphore_mem>>) src(%dma_wait3A_160 : memref<2x1280xi32, #tpu.memory_space<hbm>>) dst(%arg23 : memref<2x1280xi32, #tpu.memory_space<vmem>>)
      %dma_wait3A_161 = arith.constant 0 : i32
      %dma_wait3A_162 = tpu.memref_slice %arg3[%dma_wait3A_161] : memref<3200000xi32, #tpu.memory_space<hbm>> -> memref<1280xi32, #tpu.memory_space<hbm>>
      %dma_wait3A_163 = arith.constant 0 : i32
      %dma_wait3A_164 = tpu.memref_slice %arg3[%dma_wait3A_163] : memref<3200000xi32, #tpu.memory_space<hbm>> -> memref<1280xi32, #tpu.memory_space<hbm>>
      tpu.wait_dma2 semaphore(%arg31 : memref<!tpu.dma_semaphore, #tpu.memory_space<semaphore_mem>>) src(%dma_wait3A_164 : memref<1280xi32, #tpu.memory_space<hbm>>) dst(%arg24 : memref<1280xi32, #tpu.memory_space<vmem>>)
      %gt3A_165 = arith.constant 0 : i32
      %gt3A_166 = arith.cmpi sgt, %while3A_99, %gt3A_165 : i32
      %convert_element_type3A_167 = arith.extui %gt3A_166 : i1 to i32
      %cond3A_168 = arith.constant 0 : i32
      %cond3A_169 = arith.cmpi ne, %convert_element_type3A_167, %cond3A_168 : i32
      scf.if %cond3A_169 {
        %dma_wait3A_184 = arith.constant 0 : i32
        %dma_wait3A_185 = tpu.memref_slice %arg13[%dma_wait3A_184] : memref<3200000xf32, #tpu.memory_space<hbm>> -> memref<1280xf32, #tpu.memory_space<hbm>>
        %dma_wait3A_186 = arith.constant 0 : i32
        %dma_wait3A_187 = tpu.memref_slice %arg13[%dma_wait3A_186] : memref<3200000xf32, #tpu.memory_space<hbm>> -> memref<1280xf32, #tpu.memory_space<hbm>>
        tpu.wait_dma2 semaphore(%arg33 : memref<!tpu.dma_semaphore, #tpu.memory_space<semaphore_mem>>) src(%arg25 : memref<1280xf32, #tpu.memory_space<vmem>>) dst(%dma_wait3A_187 : memref<1280xf32, #tpu.memory_space<hbm>>)
      } else {
      }
      %parallel_loop3A_170 = arith.constant 0 : i32
      %parallel_loop3A_171 = arith.constant 1280 : i32
      %parallel_loop3A_172 = arith.constant 16 : i32
      scf.for %parallel_loop3A_184 = %parallel_loop3A_170 to %parallel_loop3A_171 step %parallel_loop3A_172  : i32 {
        %parallel_loop3A_185 = arith.constant 0 : i32
        %parallel_loop3A_186 = arith.index_cast %parallel_loop3A_185 : i32 to index
        %parallel_loop3A_187 = arith.index_cast %parallel_loop3A_184 : i32 to index
        %parallel_loop3A_188 = tpu.vector_load %arg23[%parallel_loop3A_186, %parallel_loop3A_187] {strides = array<i32>} : memref<2x1280xi32, #tpu.memory_space<vmem>>, vector<16xi32>,
        %parallel_loop3A_189 = arith.constant 1 : i32
        %parallel_loop3A_190 = arith.index_cast %parallel_loop3A_189 : i32 to index
        %parallel_loop3A_191 = arith.index_cast %parallel_loop3A_184 : i32 to index
        %parallel_loop3A_192 = tpu.vector_load %arg23[%parallel_loop3A_190, %parallel_loop3A_191] {strides = array<i32>} : memref<2x1280xi32, #tpu.memory_space<vmem>>, vector<16xi32>,
        %parallel_loop3A_193 = arith.index_cast %parallel_loop3A_184 : i32 to index
        %parallel_loop3A_194 = tpu.vector_load %arg24[%parallel_loop3A_193] {strides = array<i32>} : memref<1280xi32, #tpu.memory_space<vmem>>, vector<16xi32>,
        %parallel_loop3A_195 = tpu.vector_load_idx %arg14[%parallel_loop3A_192] : memref<50000xf32, #tpu.memory_space<vmem>>[vector<16xi32>], vector<16xf32>,
        %parallel_loop3A_196 = tpu.vector_load_idx %arg14[%parallel_loop3A_188] : memref<50000xf32, #tpu.memory_space<vmem>>[vector<16xi32>], vector<16xf32>,
        %parallel_loop3A_197 = tpu.vector_load_idx %arg15[%parallel_loop3A_192] : memref<50000xf32, #tpu.memory_space<vmem>>[vector<16xi32>], vector<16xf32>,
        %parallel_loop3A_198 = tpu.vector_load_idx %arg15[%parallel_loop3A_188] : memref<50000xf32, #tpu.memory_space<vmem>>[vector<16xi32>], vector<16xf32>,
        %parallel_loop3A_199 = tpu.vector_load_idx %arg16[%parallel_loop3A_194] : memref<32xf32, #tpu.memory_space<vmem>>[vector<16xi32>], vector<16xf32>,
        %parallel_loop3A_200 = tpu.vector_load_idx %arg17[%parallel_loop3A_194] : memref<32xf32, #tpu.memory_space<vmem>>[vector<16xi32>], vector<16xf32>,
        %parallel_loop3A_201 = arith.subf %parallel_loop3A_195, %parallel_loop3A_196 : vector<16xf32>
        %parallel_loop3A_202 = arith.addf %parallel_loop3A_201, %parallel_loop3A_199 : vector<16xf32>
        %parallel_loop3A_203 = arith.subf %parallel_loop3A_197, %parallel_loop3A_198 : vector<16xf32>
        %parallel_loop3A_204 = arith.addf %parallel_loop3A_203, %parallel_loop3A_200 : vector<16xf32>
        %parallel_loop3A_205 = arith.mulf %parallel_loop3A_202, %parallel_loop3A_202 : vector<16xf32>
        %parallel_loop3A_206 = arith.mulf %parallel_loop3A_204, %parallel_loop3A_204 : vector<16xf32>
        %parallel_loop3A_207 = arith.addf %parallel_loop3A_205, %parallel_loop3A_206 : vector<16xf32>
        %parallel_loop3A_208 = arith.index_cast %parallel_loop3A_184 : i32 to index
        %parallel_loop3A_209 = tpu.vector_load %arg25[%parallel_loop3A_208] {strides = array<i32>} : memref<1280xf32, #tpu.memory_space<vmem>>, vector<16xf32>,
        tpu.vector_store %arg25[%parallel_loop3A_208], %parallel_loop3A_207 {strides = array<i32>} : memref<1280xf32, #tpu.memory_space<vmem>>, vector<16xf32>,
      } {sc.loop_unroll_factor = 8 : i64, sc.parallel_access}
      %add3A_173 = arith.constant 1 : i32
      %add3A_174 = arith.addi %mul3A_101, %add3A_173 : i32
      %mul3A_175 = arith.constant 32 : i32
      %mul3A_176 = arith.muli %mul3A_175, %add3A_174 : i32
      %add3A_177 = arith.addi %add3A, %mul3A_176 : i32
      %min3A_178 = arith.constant 2499 : i32
      %min3A_179 = arith.minsi %add3A_177, %min3A_178 : i32
      %mul3A_180 = arith.constant 1280 : i32
      %mul3A_181 = arith.muli %min3A_179, %mul3A_180 : i32
      %dma_start3A_182 = tpu.memref_slice %arg13[%mul3A_181] : memref<3200000xf32, #tpu.memory_space<hbm>> -> memref<1280xf32, #tpu.memory_space<hbm>>
      %dma_start3A_183 = tpu.memref_slice %arg13[%mul3A_181] : memref<3200000xf32, #tpu.memory_space<hbm>> -> memref<1280xf32, #tpu.memory_space<hbm>>
      tpu.enqueue_dma source(%arg25 : memref<1280xf32, #tpu.memory_space<vmem>>) target(%dma_start3A_183 : memref<1280xf32, #tpu.memory_space<hbm>>) target_semaphore(%arg33 : memref<!tpu.dma_semaphore, #tpu.memory_space<semaphore_mem>>)
    }
    %while3A_23 = arith.constant 1 : i32
    scf.for %while3A_99 = %while3A_21 to %while3A_17 step %while3A_23  : i32 {
      %mul3A_100 = arith.constant 2 : i32
      %mul3A_101 = arith.muli %mul3A_100, %while3A_99 : i32
      %add3A_102 = arith.constant 1 : i32
      %add3A_103 = arith.addi %mul3A_101, %add3A_102 : i32
      %mul3A_104 = arith.constant 32 : i32
      %mul3A_105 = arith.muli %mul3A_104, %add3A_103 : i32
      %add3A_106 = arith.addi %add3A, %mul3A_105 : i32
      %min3A_107 = arith.constant 2499 : i32
      %min3A_108 = arith.minsi %add3A_106, %min3A_107 : i32
      %mul3A_109 = arith.constant 1280 : i32
      %mul3A_110 = arith.muli %min3A_108, %mul3A_109 : i32
      %dma_start3A_111 = arith.constant 0 : i32
      %dma_start3A_112 = tpu.memref_slice %arg2[%dma_start3A_111, %mul3A_110] : memref<2x3200000xi32, #tpu.memory_space<hbm>> -> memref<2x1280xi32, #tpu.memory_space<hbm>>
      %dma_start3A_113 = arith.constant 0 : i32
      %dma_start3A_114 = tpu.memref_slice %arg2[%dma_start3A_113, %mul3A_110] : memref<2x3200000xi32, #tpu.memory_space<hbm>> -> memref<2x1280xi32, #tpu.memory_space<hbm>>
      tpu.enqueue_dma source(%dma_start3A_114 : memref<2x1280xi32, #tpu.memory_space<hbm>>) target(%arg23 : memref<2x1280xi32, #tpu.memory_space<vmem>>) target_semaphore(%arg31 : memref<!tpu.dma_semaphore, #tpu.memory_space<semaphore_mem>>)
      %dma_start3A_115 = tpu.memref_slice %arg3[%mul3A_110] : memref<3200000xi32, #tpu.memory_space<hbm>> -> memref<1280xi32, #tpu.memory_space<hbm>>
      %dma_start3A_116 = tpu.memref_slice %arg3[%mul3A_110] : memref<3200000xi32, #tpu.memory_space<hbm>> -> memref<1280xi32, #tpu.memory_space<hbm>>
      tpu.enqueue_dma source(%dma_start3A_116 : memref<1280xi32, #tpu.memory_space<hbm>>) target(%arg24 : memref<1280xi32, #tpu.memory_space<vmem>>) target_semaphore(%arg31 : memref<!tpu.dma_semaphore, #tpu.memory_space<semaphore_mem>>)
      %dma_wait3A_117 = arith.constant 0 : i32
      %dma_wait3A_118 = arith.constant 0 : i32
      %dma_wait3A_119 = tpu.memref_slice %arg2[%dma_wait3A_117, %dma_wait3A_118] : memref<2x3200000xi32, #tpu.memory_space<hbm>> -> memref<2x1280xi32, #tpu.memory_space<hbm>>
      %dma_wait3A_120 = arith.constant 0 : i32
      %dma_wait3A_121 = arith.constant 0 : i32
      %dma_wait3A_122 = tpu.memref_slice %arg2[%dma_wait3A_120, %dma_wait3A_121] : memref<2x3200000xi32, #tpu.memory_space<hbm>> -> memref<2x1280xi32, #tpu.memory_space<hbm>>
      tpu.wait_dma2 semaphore(%arg30 : memref<!tpu.dma_semaphore, #tpu.memory_space<semaphore_mem>>) src(%dma_wait3A_122 : memref<2x1280xi32, #tpu.memory_space<hbm>>) dst(%arg20 : memref<2x1280xi32, #tpu.memory_space<vmem>>)
      %dma_wait3A_123 = arith.constant 0 : i32
      %dma_wait3A_124 = tpu.memref_slice %arg3[%dma_wait3A_123] : memref<3200000xi32, #tpu.memory_space<hbm>> -> memref<1280xi32, #tpu.memory_space<hbm>>
      %dma_wait3A_125 = arith.constant 0 : i32
      %dma_wait3A_126 = tpu.memref_slice %arg3[%dma_wait3A_125] : memref<3200000xi32, #tpu.memory_space<hbm>> -> memref<1280xi32, #tpu.memory_space<hbm>>
      tpu.wait_dma2 semaphore(%arg30 : memref<!tpu.dma_semaphore, #tpu.memory_space<semaphore_mem>>) src(%dma_wait3A_126 : memref<1280xi32, #tpu.memory_space<hbm>>) dst(%arg21 : memref<1280xi32, #tpu.memory_space<vmem>>)
      %gt3A = arith.constant 0 : i32
      %gt3A_127 = arith.cmpi sgt, %while3A_99, %gt3A : i32
      %convert_element_type3A = arith.extui %gt3A_127 : i1 to i32
      %cond3A = arith.constant 0 : i32
      %cond3A_128 = arith.cmpi ne, %convert_element_type3A, %cond3A : i32
      scf.if %cond3A_128 {
        %dma_wait3A_184 = arith.constant 0 : i32
        %dma_wait3A_185 = tpu.memref_slice %arg13[%dma_wait3A_184] : memref<3200000xf32, #tpu.memory_space<hbm>> -> memref<1280xf32, #tpu.memory_space<hbm>>
        %dma_wait3A_186 = arith.constant 0 : i32
        %dma_wait3A_187 = tpu.memref_slice %arg13[%dma_wait3A_186] : memref<3200000xf32, #tpu.memory_space<hbm>> -> memref<1280xf32, #tpu.memory_space<hbm>>
        tpu.wait_dma2 semaphore(%arg32 : memref<!tpu.dma_semaphore, #tpu.memory_space<semaphore_mem>>) src(%arg22 : memref<1280xf32, #tpu.memory_space<vmem>>) dst(%dma_wait3A_187 : memref<1280xf32, #tpu.memory_space<hbm>>)
      } else {
      }
      %parallel_loop3A = arith.constant 0 : i32
      %parallel_loop3A_129 = arith.constant 1280 : i32
      %parallel_loop3A_130 = arith.constant 16 : i32
      scf.for %parallel_loop3A_184 = %parallel_loop3A to %parallel_loop3A_129 step %parallel_loop3A_130  : i32 {
        %parallel_loop3A_185 = arith.constant 0 : i32
        %parallel_loop3A_186 = arith.index_cast %parallel_loop3A_185 : i32 to index
        %parallel_loop3A_187 = arith.index_cast %parallel_loop3A_184 : i32 to index
        %parallel_loop3A_188 = tpu.vector_load %arg20[%parallel_loop3A_186, %parallel_loop3A_187] {strides = array<i32>} : memref<2x1280xi32, #tpu.memory_space<vmem>>, vector<16xi32>,
        %parallel_loop3A_189 = arith.constant 1 : i32
        %parallel_loop3A_190 = arith.index_cast %parallel_loop3A_189 : i32 to index
        %parallel_loop3A_191 = arith.index_cast %parallel_loop3A_184 : i32 to index
        %parallel_loop3A_192 = tpu.vector_load %arg20[%parallel_loop3A_190, %parallel_loop3A_191] {strides = array<i32>} : memref<2x1280xi32, #tpu.memory_space<vmem>>, vector<16xi32>,
        %parallel_loop3A_193 = arith.index_cast %parallel_loop3A_184 : i32 to index
        %parallel_loop3A_194 = tpu.vector_load %arg21[%parallel_loop3A_193] {strides = array<i32>} : memref<1280xi32, #tpu.memory_space<vmem>>, vector<16xi32>,
        %parallel_loop3A_195 = tpu.vector_load_idx %arg14[%parallel_loop3A_192] : memref<50000xf32, #tpu.memory_space<vmem>>[vector<16xi32>], vector<16xf32>,
        %parallel_loop3A_196 = tpu.vector_load_idx %arg14[%parallel_loop3A_188] : memref<50000xf32, #tpu.memory_space<vmem>>[vector<16xi32>], vector<16xf32>,
        %parallel_loop3A_197 = tpu.vector_load_idx %arg15[%parallel_loop3A_192] : memref<50000xf32, #tpu.memory_space<vmem>>[vector<16xi32>], vector<16xf32>,
        %parallel_loop3A_198 = tpu.vector_load_idx %arg15[%parallel_loop3A_188] : memref<50000xf32, #tpu.memory_space<vmem>>[vector<16xi32>], vector<16xf32>,
        %parallel_loop3A_199 = tpu.vector_load_idx %arg16[%parallel_loop3A_194] : memref<32xf32, #tpu.memory_space<vmem>>[vector<16xi32>], vector<16xf32>,
        %parallel_loop3A_200 = tpu.vector_load_idx %arg17[%parallel_loop3A_194] : memref<32xf32, #tpu.memory_space<vmem>>[vector<16xi32>], vector<16xf32>,
        %parallel_loop3A_201 = arith.subf %parallel_loop3A_195, %parallel_loop3A_196 : vector<16xf32>
        %parallel_loop3A_202 = arith.addf %parallel_loop3A_201, %parallel_loop3A_199 : vector<16xf32>
        %parallel_loop3A_203 = arith.subf %parallel_loop3A_197, %parallel_loop3A_198 : vector<16xf32>
        %parallel_loop3A_204 = arith.addf %parallel_loop3A_203, %parallel_loop3A_200 : vector<16xf32>
        %parallel_loop3A_205 = arith.mulf %parallel_loop3A_202, %parallel_loop3A_202 : vector<16xf32>
        %parallel_loop3A_206 = arith.mulf %parallel_loop3A_204, %parallel_loop3A_204 : vector<16xf32>
        %parallel_loop3A_207 = arith.addf %parallel_loop3A_205, %parallel_loop3A_206 : vector<16xf32>
        %parallel_loop3A_208 = arith.index_cast %parallel_loop3A_184 : i32 to index
        %parallel_loop3A_209 = tpu.vector_load %arg22[%parallel_loop3A_208] {strides = array<i32>} : memref<1280xf32, #tpu.memory_space<vmem>>, vector<16xf32>,
        tpu.vector_store %arg22[%parallel_loop3A_208], %parallel_loop3A_207 {strides = array<i32>} : memref<1280xf32, #tpu.memory_space<vmem>>, vector<16xf32>,
      } {sc.loop_unroll_factor = 8 : i64, sc.parallel_access}
      %mul3A_131 = arith.constant 32 : i32
      %mul3A_132 = arith.muli %mul3A_131, %mul3A_101 : i32
      %add3A_133 = arith.addi %add3A, %mul3A_132 : i32
      %min3A_134 = arith.constant 2499 : i32
      %min3A_135 = arith.minsi %add3A_133, %min3A_134 : i32
      %mul3A_136 = arith.constant 1280 : i32
      %mul3A_137 = arith.muli %min3A_135, %mul3A_136 : i32
      %dma_start3A_138 = tpu.memref_slice %arg13[%mul3A_137] : memref<3200000xf32, #tpu.memory_space<hbm>> -> memref<1280xf32, #tpu.memory_space<hbm>>
      %dma_start3A_139 = tpu.memref_slice %arg13[%mul3A_137] : memref<3200000xf32, #tpu.memory_space<hbm>> -> memref<1280xf32, #tpu.memory_space<hbm>>
      tpu.enqueue_dma source(%arg22 : memref<1280xf32, #tpu.memory_space<vmem>>) target(%dma_start3A_139 : memref<1280xf32, #tpu.memory_space<hbm>>) target_semaphore(%arg32 : memref<!tpu.dma_semaphore, #tpu.memory_space<semaphore_mem>>)
      %add3A_140 = arith.constant 2 : i32
      %add3A_141 = arith.addi %mul3A_101, %add3A_140 : i32
      %mul3A_142 = arith.constant 32 : i32
      %mul3A_143 = arith.muli %mul3A_142, %add3A_141 : i32
      %add3A_144 = arith.addi %add3A, %mul3A_143 : i32
      %min3A_145 = arith.constant 2499 : i32
      %min3A_146 = arith.minsi %add3A_144, %min3A_145 : i32
      %mul3A_147 = arith.constant 1280 : i32
      %mul3A_148 = arith.muli %min3A_146, %mul3A_147 : i32
      %dma_start3A_149 = arith.constant 0 : i32
      %dma_start3A_150 = tpu.memref_slice %arg2[%dma_start3A_149, %mul3A_148] : memref<2x3200000xi32, #tpu.memory_space<hbm>> -> memref<2x1280xi32, #tpu.memory_space<hbm>>
      %dma_start3A_151 = arith.constant 0 : i32
      %dma_start3A_152 = tpu.memref_slice %arg2[%dma_start3A_151, %mul3A_148] : memref<2x3200000xi32, #tpu.memory_space<hbm>> -> memref<2x1280xi32, #tpu.memory_space<hbm>>
      tpu.enqueue_dma source(%dma_start3A_152 : memref<2x1280xi32, #tpu.memory_space<hbm>>) target(%arg20 : memref<2x1280xi32, #tpu.memory_space<vmem>>) target_semaphore(%arg30 : memref<!tpu.dma_semaphore, #tpu.memory_space<semaphore_mem>>)
      %dma_start3A_153 = tpu.memref_slice %arg3[%mul3A_148] : memref<3200000xi32, #tpu.memory_space<hbm>> -> memref<1280xi32, #tpu.memory_space<hbm>>
      %dma_start3A_154 = tpu.memref_slice %arg3[%mul3A_148] : memref<3200000xi32, #tpu.memory_space<hbm>> -> memref<1280xi32, #tpu.memory_space<hbm>>
      tpu.enqueue_dma source(%dma_start3A_154 : memref<1280xi32, #tpu.memory_space<hbm>>) target(%arg21 : memref<1280xi32, #tpu.memory_space<vmem>>) target_semaphore(%arg30 : memref<!tpu.dma_semaphore, #tpu.memory_space<semaphore_mem>>)
      %dma_wait3A_155 = arith.constant 0 : i32
      %dma_wait3A_156 = arith.constant 0 : i32
      %dma_wait3A_157 = tpu.memref_slice %arg2[%dma_wait3A_155, %dma_wait3A_156] : memref<2x3200000xi32, #tpu.memory_space<hbm>> -> memref<2x1280xi32, #tpu.memory_space<hbm>>
      %dma_wait3A_158 = arith.constant 0 : i32
      %dma_wait3A_159 = arith.constant 0 : i32
      %dma_wait3A_160 = tpu.memref_slice %arg2[%dma_wait3A_158, %dma_wait3A_159] : memref<2x3200000xi32, #tpu.memory_space<hbm>> -> memref<2x1280xi32, #tpu.memory_space<hbm>>
      tpu.wait_dma2 semaphore(%arg31 : memref<!tpu.dma_semaphore, #tpu.memory_space<semaphore_mem>>) src(%dma_wait3A_160 : memref<2x1280xi32, #tpu.memory_space<hbm>>) dst(%arg23 : memref<2x1280xi32, #tpu.memory_space<vmem>>)
      %dma_wait3A_161 = arith.constant 0 : i32
      %dma_wait3A_162 = tpu.memref_slice %arg3[%dma_wait3A_161] : memref<3200000xi32, #tpu.memory_space<hbm>> -> memref<1280xi32, #tpu.memory_space<hbm>>
      %dma_wait3A_163 = arith.constant 0 : i32
      %dma_wait3A_164 = tpu.memref_slice %arg3[%dma_wait3A_163] : memref<3200000xi32, #tpu.memory_space<hbm>> -> memref<1280xi32, #tpu.memory_space<hbm>>
      tpu.wait_dma2 semaphore(%arg31 : memref<!tpu.dma_semaphore, #tpu.memory_space<semaphore_mem>>) src(%dma_wait3A_164 : memref<1280xi32, #tpu.memory_space<hbm>>) dst(%arg24 : memref<1280xi32, #tpu.memory_space<vmem>>)
      %gt3A_165 = arith.constant 0 : i32
      %gt3A_166 = arith.cmpi sgt, %while3A_99, %gt3A_165 : i32
      %convert_element_type3A_167 = arith.extui %gt3A_166 : i1 to i32
      %cond3A_168 = arith.constant 0 : i32
      %cond3A_169 = arith.cmpi ne, %convert_element_type3A_167, %cond3A_168 : i32
      scf.if %cond3A_169 {
        %dma_wait3A_184 = arith.constant 0 : i32
        %dma_wait3A_185 = tpu.memref_slice %arg13[%dma_wait3A_184] : memref<3200000xf32, #tpu.memory_space<hbm>> -> memref<1280xf32, #tpu.memory_space<hbm>>
        %dma_wait3A_186 = arith.constant 0 : i32
        %dma_wait3A_187 = tpu.memref_slice %arg13[%dma_wait3A_186] : memref<3200000xf32, #tpu.memory_space<hbm>> -> memref<1280xf32, #tpu.memory_space<hbm>>
        tpu.wait_dma2 semaphore(%arg33 : memref<!tpu.dma_semaphore, #tpu.memory_space<semaphore_mem>>) src(%arg25 : memref<1280xf32, #tpu.memory_space<vmem>>) dst(%dma_wait3A_187 : memref<1280xf32, #tpu.memory_space<hbm>>)
      } else {
      }
      %parallel_loop3A_170 = arith.constant 0 : i32
      %parallel_loop3A_171 = arith.constant 1280 : i32
      %parallel_loop3A_172 = arith.constant 16 : i32
      scf.for %parallel_loop3A_184 = %parallel_loop3A_170 to %parallel_loop3A_171 step %parallel_loop3A_172  : i32 {
        %parallel_loop3A_185 = arith.constant 0 : i32
        %parallel_loop3A_186 = arith.index_cast %parallel_loop3A_185 : i32 to index
        %parallel_loop3A_187 = arith.index_cast %parallel_loop3A_184 : i32 to index
        %parallel_loop3A_188 = tpu.vector_load %arg23[%parallel_loop3A_186, %parallel_loop3A_187] {strides = array<i32>} : memref<2x1280xi32, #tpu.memory_space<vmem>>, vector<16xi32>,
        %parallel_loop3A_189 = arith.constant 1 : i32
        %parallel_loop3A_190 = arith.index_cast %parallel_loop3A_189 : i32 to index
        %parallel_loop3A_191 = arith.index_cast %parallel_loop3A_184 : i32 to index
        %parallel_loop3A_192 = tpu.vector_load %arg23[%parallel_loop3A_190, %parallel_loop3A_191] {strides = array<i32>} : memref<2x1280xi32, #tpu.memory_space<vmem>>, vector<16xi32>,
        %parallel_loop3A_193 = arith.index_cast %parallel_loop3A_184 : i32 to index
        %parallel_loop3A_194 = tpu.vector_load %arg24[%parallel_loop3A_193] {strides = array<i32>} : memref<1280xi32, #tpu.memory_space<vmem>>, vector<16xi32>,
        %parallel_loop3A_195 = tpu.vector_load_idx %arg14[%parallel_loop3A_192] : memref<50000xf32, #tpu.memory_space<vmem>>[vector<16xi32>], vector<16xf32>,
        %parallel_loop3A_196 = tpu.vector_load_idx %arg14[%parallel_loop3A_188] : memref<50000xf32, #tpu.memory_space<vmem>>[vector<16xi32>], vector<16xf32>,
        %parallel_loop3A_197 = tpu.vector_load_idx %arg15[%parallel_loop3A_192] : memref<50000xf32, #tpu.memory_space<vmem>>[vector<16xi32>], vector<16xf32>,
        %parallel_loop3A_198 = tpu.vector_load_idx %arg15[%parallel_loop3A_188] : memref<50000xf32, #tpu.memory_space<vmem>>[vector<16xi32>], vector<16xf32>,
        %parallel_loop3A_199 = tpu.vector_load_idx %arg16[%parallel_loop3A_194] : memref<32xf32, #tpu.memory_space<vmem>>[vector<16xi32>], vector<16xf32>,
        %parallel_loop3A_200 = tpu.vector_load_idx %arg17[%parallel_loop3A_194] : memref<32xf32, #tpu.memory_space<vmem>>[vector<16xi32>], vector<16xf32>,
        %parallel_loop3A_201 = arith.subf %parallel_loop3A_195, %parallel_loop3A_196 : vector<16xf32>
        %parallel_loop3A_202 = arith.addf %parallel_loop3A_201, %parallel_loop3A_199 : vector<16xf32>
        %parallel_loop3A_203 = arith.subf %parallel_loop3A_197, %parallel_loop3A_198 : vector<16xf32>
        %parallel_loop3A_204 = arith.addf %parallel_loop3A_203, %parallel_loop3A_200 : vector<16xf32>
        %parallel_loop3A_205 = arith.mulf %parallel_loop3A_202, %parallel_loop3A_202 : vector<16xf32>
        %parallel_loop3A_206 = arith.mulf %parallel_loop3A_204, %parallel_loop3A_204 : vector<16xf32>
        %parallel_loop3A_207 = arith.addf %parallel_loop3A_205, %parallel_loop3A_206 : vector<16xf32>
        %parallel_loop3A_208 = arith.index_cast %parallel_loop3A_184 : i32 to index
        %parallel_loop3A_209 = tpu.vector_load %arg25[%parallel_loop3A_208] {strides = array<i32>} : memref<1280xf32, #tpu.memory_space<vmem>>, vector<16xf32>,
        tpu.vector_store %arg25[%parallel_loop3A_208], %parallel_loop3A_207 {strides = array<i32>} : memref<1280xf32, #tpu.memory_space<vmem>>, vector<16xf32>,
      } {sc.loop_unroll_factor = 8 : i64, sc.parallel_access}
      %add3A_173 = arith.constant 1 : i32
      %add3A_174 = arith.addi %mul3A_101, %add3A_173 : i32
      %mul3A_175 = arith.constant 32 : i32
      %mul3A_176 = arith.muli %mul3A_175, %add3A_174 : i32
      %add3A_177 = arith.addi %add3A, %mul3A_176 : i32
      %min3A_178 = arith.constant 2499 : i32
      %min3A_179 = arith.minsi %add3A_177, %min3A_178 : i32
      %mul3A_180 = arith.constant 1280 : i32
      %mul3A_181 = arith.muli %min3A_179, %mul3A_180 : i32
      %dma_start3A_182 = tpu.memref_slice %arg13[%mul3A_181] : memref<3200000xf32, #tpu.memory_space<hbm>> -> memref<1280xf32, #tpu.memory_space<hbm>>
      %dma_start3A_183 = tpu.memref_slice %arg13[%mul3A_181] : memref<3200000xf32, #tpu.memory_space<hbm>> -> memref<1280xf32, #tpu.memory_space<hbm>>
      tpu.enqueue_dma source(%arg25 : memref<1280xf32, #tpu.memory_space<vmem>>) target(%dma_start3A_183 : memref<1280xf32, #tpu.memory_space<hbm>>) target_semaphore(%arg33 : memref<!tpu.dma_semaphore, #tpu.memory_space<semaphore_mem>>)
    }
    %dma_wait3A = arith.constant 0 : i32
    %dma_wait3A_24 = arith.constant 0 : i32
    %dma_wait3A_25 = tpu.memref_slice %arg2[%dma_wait3A, %dma_wait3A_24] : memref<2x3200000xi32, #tpu.memory_space<hbm>> -> memref<2x1280xi32, #tpu.memory_space<hbm>>
    %dma_wait3A_26 = arith.constant 0 : i32
    %dma_wait3A_27 = arith.constant 0 : i32
    %dma_wait3A_28 = tpu.memref_slice %arg2[%dma_wait3A_26, %dma_wait3A_27] : memref<2x3200000xi32, #tpu.memory_space<hbm>> -> memref<2x1280xi32, #tpu.memory_space<hbm>>
    tpu.wait_dma2 semaphore(%arg30 : memref<!tpu.dma_semaphore, #tpu.memory_space<semaphore_mem>>) src(%dma_wait3A_28 : memref<2x1280xi32, #tpu.memory_space<hbm>>) dst(%arg20 : memref<2x1280xi32, #tpu.memory_space<vmem>>)
    %dma_wait3A_29 = arith.constant 0 : i32
    %dma_wait3A_30 = tpu.memref_slice %arg3[%dma_wait3A_29] : memref<3200000xi32, #tpu.memory_space<hbm>> -> memref<1280xi32, #tpu.memory_space<hbm>>
    %dma_wait3A_31 = arith.constant 0 : i32
    %dma_wait3A_32 = tpu.memref_slice %arg3[%dma_wait3A_31] : memref<3200000xi32, #tpu.memory_space<hbm>> -> memref<1280xi32, #tpu.memory_space<hbm>>
    tpu.wait_dma2 semaphore(%arg30 : memref<!tpu.dma_semaphore, #tpu.memory_space<semaphore_mem>>) src(%dma_wait3A_32 : memref<1280xi32, #tpu.memory_space<hbm>>) dst(%arg21 : memref<1280xi32, #tpu.memory_space<vmem>>)
    %dma_wait3A_33 = arith.constant 0 : i32
    %dma_wait3A_34 = tpu.memref_slice %arg13[%dma_wait3A_33] : memref<3200000xf32, #tpu.memory_space<hbm>> -> memref<1280xf32, #tpu.memory_space<hbm>>
    %dma_wait3A_35 = arith.constant 0 : i32
    %dma_wait3A_36 = tpu.memref_slice %arg13[%dma_wait3A_35] : memref<3200000xf32, #tpu.memory_space<hbm>> -> memref<1280xf32, #tpu.memory_space<hbm>>
    tpu.wait_dma2 semaphore(%arg32 : memref<!tpu.dma_semaphore, #tpu.memory_space<semaphore_mem>>) src(%arg22 : memref<1280xf32, #tpu.memory_space<vmem>>) dst(%dma_wait3A_36 : memref<1280xf32, #tpu.memory_space<hbm>>)
    %dma_wait3A_37 = arith.constant 0 : i32
    %dma_wait3A_38 = tpu.memref_slice %arg13[%dma_wait3A_37] : memref<3200000xf32, #tpu.memory_space<hbm>> -> memref<1280xf32, #tpu.memory_space<hbm>>
    %dma_wait3A_39 = arith.constant 0 : i32
    %dma_wait3A_40 = tpu.memref_slice %arg13[%dma_wait3A_39] : memref<3200000xf32, #tpu.memory_space<hbm>> -> memref<1280xf32, #tpu.memory_space<hbm>>
    tpu.wait_dma2 semaphore(%arg33 : memref<!tpu.dma_semaphore, #tpu.memory_space<semaphore_mem>>) src(%arg25 : memref<1280xf32, #tpu.memory_space<vmem>>) dst(%dma_wait3A_40 : memref<1280xf32, #tpu.memory_space<hbm>>)
    "tpu.region"() ({
      %run_scoped3A = tpu.sem_alloc : memref<!tpu.dma_semaphore, #tpu.memory_space<semaphore_mem>>
      tpu.enqueue_dma source(%arg6 : memref<50000xf32, #tpu.memory_space<hbm>>) target(%arg14 : memref<50000xf32, #tpu.memory_space<vmem>>) target_semaphore(%run_scoped3A : memref<!tpu.dma_semaphore, #tpu.memory_space<semaphore_mem>>)
      tpu.wait_dma2 semaphore(%run_scoped3A : memref<!tpu.dma_semaphore, #tpu.memory_space<semaphore_mem>>) src(%arg6 : memref<50000xf32, #tpu.memory_space<hbm>>) dst(%arg14 : memref<50000xf32, #tpu.memory_space<vmem>>)
      tpu.yield
    }) : () -> ()
    %add3A_41 = arith.constant 0 : i32
    %add3A_42 = arith.addi %add3A, %add3A_41 : i32
    %min3A_43 = arith.constant 2499 : i32
    %min3A_44 = arith.minsi %add3A_42, %min3A_43 : i32
    %mul3A_45 = arith.constant 1280 : i32
    %mul3A_46 = arith.muli %min3A_44, %mul3A_45 : i32
    %dma_start3A_47 = arith.constant 0 : i32
    %dma_start3A_48 = tpu.memref_slice %arg2[%dma_start3A_47, %mul3A_46] : memref<2x3200000xi32, #tpu.memory_space<hbm>> -> memref<2x1280xi32, #tpu.memory_space<hbm>>
    %dma_start3A_49 = arith.constant 0 : i32
    %dma_start3A_50 = tpu.memref_slice %arg2[%dma_start3A_49, %mul3A_46] : memref<2x3200000xi32, #tpu.memory_space<hbm>> -> memref<2x1280xi32, #tpu.memory_space<hbm>>
    tpu.enqueue_dma source(%dma_start3A_50 : memref<2x1280xi32, #tpu.memory_space<hbm>>) target(%arg20 : memref<2x1280xi32, #tpu.memory_space<vmem>>) target_semaphore(%arg30 : memref<!tpu.dma_semaphore, #tpu.memory_space<semaphore_mem>>)
    %dma_start3A_51 = tpu.memref_slice %arg3[%mul3A_46] : memref<3200000xi32, #tpu.memory_space<hbm>> -> memref<1280xi32, #tpu.memory_space<hbm>>
    %dma_start3A_52 = tpu.memref_slice %arg3[%mul3A_46] : memref<3200000xi32, #tpu.memory_space<hbm>> -> memref<1280xi32, #tpu.memory_space<hbm>>
    tpu.enqueue_dma source(%dma_start3A_52 : memref<1280xi32, #tpu.memory_space<hbm>>) target(%arg21 : memref<1280xi32, #tpu.memory_space<vmem>>) target_semaphore(%arg30 : memref<!tpu.dma_semaphore, #tpu.memory_space<semaphore_mem>>)
    %dma_start3A_53 = tpu.memref_slice %arg13[%mul3A_46] : memref<3200000xf32, #tpu.memory_space<hbm>> -> memref<1280xf32, #tpu.memory_space<hbm>>
    %dma_start3A_54 = tpu.memref_slice %arg13[%mul3A_46] : memref<3200000xf32, #tpu.memory_space<hbm>> -> memref<1280xf32, #tpu.memory_space<hbm>>
    tpu.enqueue_dma source(%dma_start3A_54 : memref<1280xf32, #tpu.memory_space<hbm>>) target(%arg22 : memref<1280xf32, #tpu.memory_space<vmem>>) target_semaphore(%arg30 : memref<!tpu.dma_semaphore, #tpu.memory_space<semaphore_mem>>)
    %while3A_55 = arith.constant 0 : i32
    %while3A_56 = arith.constant 0 : i32
    %while3A_57 = arith.subi %select_n3A, %while3A_56 : i32
    %while3A_58 = arith.addi %while3A_56, %while3A_57 : i32
    %while3A_59 = arith.constant 1 : i32
    %while3A_60 = arith.divsi %while3A_57, %while3A_59 : i32
    %while3A_61 = arith.muli %while3A_60, %while3A_59 : i32
    %while3A_62 = arith.addi %while3A_56, %while3A_61 : i32
    %while3A_63 = arith.constant 1 : i32
    scf.for %while3A_99 = %while3A_56 to %while3A_62 step %while3A_63  : i32 {
      %mul3A_100 = arith.constant 2 : i32
      %mul3A_101 = arith.muli %mul3A_100, %while3A_99 : i32
      %add3A_102 = arith.constant 1 : i32
      %add3A_103 = arith.addi %mul3A_101, %add3A_102 : i32
      %mul3A_104 = arith.constant 32 : i32
      %mul3A_105 = arith.muli %mul3A_104, %add3A_103 : i32
      %add3A_106 = arith.addi %add3A, %mul3A_105 : i32
      %min3A_107 = arith.constant 2499 : i32
      %min3A_108 = arith.minsi %add3A_106, %min3A_107 : i32
      %mul3A_109 = arith.constant 1280 : i32
      %mul3A_110 = arith.muli %min3A_108, %mul3A_109 : i32
      %dma_start3A_111 = arith.constant 0 : i32
      %dma_start3A_112 = tpu.memref_slice %arg2[%dma_start3A_111, %mul3A_110] : memref<2x3200000xi32, #tpu.memory_space<hbm>> -> memref<2x1280xi32, #tpu.memory_space<hbm>>
      %dma_start3A_113 = arith.constant 0 : i32
      %dma_start3A_114 = tpu.memref_slice %arg2[%dma_start3A_113, %mul3A_110] : memref<2x3200000xi32, #tpu.memory_space<hbm>> -> memref<2x1280xi32, #tpu.memory_space<hbm>>
      tpu.enqueue_dma source(%dma_start3A_114 : memref<2x1280xi32, #tpu.memory_space<hbm>>) target(%arg23 : memref<2x1280xi32, #tpu.memory_space<vmem>>) target_semaphore(%arg31 : memref<!tpu.dma_semaphore, #tpu.memory_space<semaphore_mem>>)
      %dma_start3A_115 = tpu.memref_slice %arg3[%mul3A_110] : memref<3200000xi32, #tpu.memory_space<hbm>> -> memref<1280xi32, #tpu.memory_space<hbm>>
      %dma_start3A_116 = tpu.memref_slice %arg3[%mul3A_110] : memref<3200000xi32, #tpu.memory_space<hbm>> -> memref<1280xi32, #tpu.memory_space<hbm>>
      tpu.enqueue_dma source(%dma_start3A_116 : memref<1280xi32, #tpu.memory_space<hbm>>) target(%arg24 : memref<1280xi32, #tpu.memory_space<vmem>>) target_semaphore(%arg31 : memref<!tpu.dma_semaphore, #tpu.memory_space<semaphore_mem>>)
      %dma_start3A_117 = tpu.memref_slice %arg13[%mul3A_110] : memref<3200000xf32, #tpu.memory_space<hbm>> -> memref<1280xf32, #tpu.memory_space<hbm>>
      %dma_start3A_118 = tpu.memref_slice %arg13[%mul3A_110] : memref<3200000xf32, #tpu.memory_space<hbm>> -> memref<1280xf32, #tpu.memory_space<hbm>>
      tpu.enqueue_dma source(%dma_start3A_118 : memref<1280xf32, #tpu.memory_space<hbm>>) target(%arg25 : memref<1280xf32, #tpu.memory_space<vmem>>) target_semaphore(%arg31 : memref<!tpu.dma_semaphore, #tpu.memory_space<semaphore_mem>>)
      %dma_wait3A_119 = arith.constant 0 : i32
      %dma_wait3A_120 = arith.constant 0 : i32
      %dma_wait3A_121 = tpu.memref_slice %arg2[%dma_wait3A_119, %dma_wait3A_120] : memref<2x3200000xi32, #tpu.memory_space<hbm>> -> memref<2x1280xi32, #tpu.memory_space<hbm>>
      %dma_wait3A_122 = arith.constant 0 : i32
      %dma_wait3A_123 = arith.constant 0 : i32
      %dma_wait3A_124 = tpu.memref_slice %arg2[%dma_wait3A_122, %dma_wait3A_123] : memref<2x3200000xi32, #tpu.memory_space<hbm>> -> memref<2x1280xi32, #tpu.memory_space<hbm>>
      tpu.wait_dma2 semaphore(%arg30 : memref<!tpu.dma_semaphore, #tpu.memory_space<semaphore_mem>>) src(%dma_wait3A_124 : memref<2x1280xi32, #tpu.memory_space<hbm>>) dst(%arg20 : memref<2x1280xi32, #tpu.memory_space<vmem>>)
      %dma_wait3A_125 = arith.constant 0 : i32
      %dma_wait3A_126 = tpu.memref_slice %arg3[%dma_wait3A_125] : memref<3200000xi32, #tpu.memory_space<hbm>> -> memref<1280xi32, #tpu.memory_space<hbm>>
      %dma_wait3A_127 = arith.constant 0 : i32
      %dma_wait3A_128 = tpu.memref_slice %arg3[%dma_wait3A_127] : memref<3200000xi32, #tpu.memory_space<hbm>> -> memref<1280xi32, #tpu.memory_space<hbm>>
      tpu.wait_dma2 semaphore(%arg30 : memref<!tpu.dma_semaphore, #tpu.memory_space<semaphore_mem>>) src(%dma_wait3A_128 : memref<1280xi32, #tpu.memory_space<hbm>>) dst(%arg21 : memref<1280xi32, #tpu.memory_space<vmem>>)
      %dma_wait3A_129 = arith.constant 0 : i32
      %dma_wait3A_130 = tpu.memref_slice %arg13[%dma_wait3A_129] : memref<3200000xf32, #tpu.memory_space<hbm>> -> memref<1280xf32, #tpu.memory_space<hbm>>
      %dma_wait3A_131 = arith.constant 0 : i32
      %dma_wait3A_132 = tpu.memref_slice %arg13[%dma_wait3A_131] : memref<3200000xf32, #tpu.memory_space<hbm>> -> memref<1280xf32, #tpu.memory_space<hbm>>
      tpu.wait_dma2 semaphore(%arg30 : memref<!tpu.dma_semaphore, #tpu.memory_space<semaphore_mem>>) src(%dma_wait3A_132 : memref<1280xf32, #tpu.memory_space<hbm>>) dst(%arg22 : memref<1280xf32, #tpu.memory_space<vmem>>)
      %gt3A = arith.constant 0 : i32
      %gt3A_133 = arith.cmpi sgt, %while3A_99, %gt3A : i32
      %convert_element_type3A = arith.extui %gt3A_133 : i1 to i32
      %cond3A = arith.constant 0 : i32
      %cond3A_134 = arith.cmpi ne, %convert_element_type3A, %cond3A : i32
      scf.if %cond3A_134 {
        %dma_wait3A_204 = arith.constant 0 : i32
        %dma_wait3A_205 = tpu.memref_slice %arg12[%dma_wait3A_204] : memref<3200000xf32, #tpu.memory_space<hbm>> -> memref<1280xf32, #tpu.memory_space<hbm>>
        %dma_wait3A_206 = arith.constant 0 : i32
        %dma_wait3A_207 = tpu.memref_slice %arg12[%dma_wait3A_206] : memref<3200000xf32, #tpu.memory_space<hbm>> -> memref<1280xf32, #tpu.memory_space<hbm>>
        tpu.wait_dma2 semaphore(%arg32 : memref<!tpu.dma_semaphore, #tpu.memory_space<semaphore_mem>>) src(%arg26 : memref<1280xf32, #tpu.memory_space<vmem>>) dst(%dma_wait3A_207 : memref<1280xf32, #tpu.memory_space<hbm>>)
        %dma_wait3A_208 = arith.constant 0 : i32
        %dma_wait3A_209 = arith.constant 0 : i32
        %dma_wait3A_210 = tpu.memref_slice %arg11[%dma_wait3A_208, %dma_wait3A_209] : memref<2x3200000xi32, #tpu.memory_space<hbm>> -> memref<2x1280xi32, #tpu.memory_space<hbm>>
        %dma_wait3A_211 = arith.constant 0 : i32
        %dma_wait3A_212 = arith.constant 0 : i32
        %dma_wait3A_213 = tpu.memref_slice %arg11[%dma_wait3A_211, %dma_wait3A_212] : memref<2x3200000xi32, #tpu.memory_space<hbm>> -> memref<2x1280xi32, #tpu.memory_space<hbm>>
        tpu.wait_dma2 semaphore(%arg32 : memref<!tpu.dma_semaphore, #tpu.memory_space<semaphore_mem>>) src(%arg27 : memref<2x1280xi32, #tpu.memory_space<vmem>>) dst(%dma_wait3A_213 : memref<2x1280xi32, #tpu.memory_space<hbm>>)
      } else {
      }
      %parallel_loop3A = arith.constant 0 : i32
      %parallel_loop3A_135 = arith.constant 1280 : i32
      %parallel_loop3A_136 = arith.constant 16 : i32
      scf.for %parallel_loop3A_204 = %parallel_loop3A to %parallel_loop3A_135 step %parallel_loop3A_136  : i32 {
        %parallel_loop3A_205 = arith.constant 0 : i32
        %parallel_loop3A_206 = arith.index_cast %parallel_loop3A_205 : i32 to index
        %parallel_loop3A_207 = arith.index_cast %parallel_loop3A_204 : i32 to index
        %parallel_loop3A_208 = tpu.vector_load %arg20[%parallel_loop3A_206, %parallel_loop3A_207] {strides = array<i32>} : memref<2x1280xi32, #tpu.memory_space<vmem>>, vector<16xi32>,
        %parallel_loop3A_209 = arith.constant 1 : i32
        %parallel_loop3A_210 = arith.index_cast %parallel_loop3A_209 : i32 to index
        %parallel_loop3A_211 = arith.index_cast %parallel_loop3A_204 : i32 to index
        %parallel_loop3A_212 = tpu.vector_load %arg20[%parallel_loop3A_210, %parallel_loop3A_211] {strides = array<i32>} : memref<2x1280xi32, #tpu.memory_space<vmem>>, vector<16xi32>,
        %parallel_loop3A_213 = arith.index_cast %parallel_loop3A_204 : i32 to index
        %parallel_loop3A_214 = tpu.vector_load %arg21[%parallel_loop3A_213] {strides = array<i32>} : memref<1280xi32, #tpu.memory_space<vmem>>, vector<16xi32>,
        %parallel_loop3A_215 = arith.index_cast %parallel_loop3A_204 : i32 to index
        %parallel_loop3A_216 = tpu.vector_load %arg22[%parallel_loop3A_215] {strides = array<i32>} : memref<1280xf32, #tpu.memory_space<vmem>>, vector<16xf32>,
        %parallel_loop3A_217 = tpu.vector_load_idx %arg14[%parallel_loop3A_212] : memref<50000xf32, #tpu.memory_space<vmem>>[vector<16xi32>], vector<16xf32>,
        %parallel_loop3A_218 = tpu.vector_load_idx %arg14[%parallel_loop3A_208] : memref<50000xf32, #tpu.memory_space<vmem>>[vector<16xi32>], vector<16xf32>,
        %parallel_loop3A_219 = tpu.vector_load_idx %arg18[%parallel_loop3A_214] : memref<32xf32, #tpu.memory_space<vmem>>[vector<16xi32>], vector<16xf32>,
        %parallel_loop3A_220 = arith.subf %parallel_loop3A_217, %parallel_loop3A_218 : vector<16xf32>
        %parallel_loop3A_221 = arith.addf %parallel_loop3A_220, %parallel_loop3A_219 : vector<16xf32>
        %parallel_loop3A_222 = arith.mulf %parallel_loop3A_221, %parallel_loop3A_221 : vector<16xf32>
        %parallel_loop3A_223 = arith.addf %parallel_loop3A_216, %parallel_loop3A_222 : vector<16xf32>
        %parallel_loop3A_224 = arith.cmpf ole, %parallel_loop3A_223, %get3A_1 : vector<16xf32>
        %parallel_loop3A_225 = arith.index_cast %parallel_loop3A_204 : i32 to index
        %parallel_loop3A_226 = tpu.vector_load %arg26[%parallel_loop3A_225] {strides = array<i32>} : memref<1280xf32, #tpu.memory_space<vmem>>, vector<16xf32>,
        tpu.vector_store %arg26[%parallel_loop3A_225], %parallel_loop3A_223 {strides = array<i32>} : memref<1280xf32, #tpu.memory_space<vmem>>, vector<16xf32>,
        %parallel_loop3A_227 = arith.select %parallel_loop3A_224, %parallel_loop3A_208, %broadcast_in_dim3A_2 : vector<16xi1>, vector<16xi32>
        %parallel_loop3A_228 = arith.constant 0 : i32
        %parallel_loop3A_229 = arith.index_cast %parallel_loop3A_228 : i32 to index
        %parallel_loop3A_230 = arith.index_cast %parallel_loop3A_204 : i32 to index
        %parallel_loop3A_231 = tpu.vector_load %arg27[%parallel_loop3A_229, %parallel_loop3A_230] {strides = array<i32>} : memref<2x1280xi32, #tpu.memory_space<vmem>>, vector<16xi32>,
        tpu.vector_store %arg27[%parallel_loop3A_229, %parallel_loop3A_230], %parallel_loop3A_227 {strides = array<i32>} : memref<2x1280xi32, #tpu.memory_space<vmem>>, vector<16xi32>,
        %parallel_loop3A_232 = arith.select %parallel_loop3A_224, %parallel_loop3A_212, %broadcast_in_dim3A_2 : vector<16xi1>, vector<16xi32>
        %parallel_loop3A_233 = arith.constant 1 : i32
        %parallel_loop3A_234 = arith.index_cast %parallel_loop3A_233 : i32 to index
        %parallel_loop3A_235 = arith.index_cast %parallel_loop3A_204 : i32 to index
        %parallel_loop3A_236 = tpu.vector_load %arg27[%parallel_loop3A_234, %parallel_loop3A_235] {strides = array<i32>} : memref<2x1280xi32, #tpu.memory_space<vmem>>, vector<16xi32>,
        tpu.vector_store %arg27[%parallel_loop3A_234, %parallel_loop3A_235], %parallel_loop3A_232 {strides = array<i32>} : memref<2x1280xi32, #tpu.memory_space<vmem>>, vector<16xi32>,
      } {sc.loop_unroll_factor = 8 : i64, sc.parallel_access}
      %mul3A_137 = arith.constant 32 : i32
      %mul3A_138 = arith.muli %mul3A_137, %mul3A_101 : i32
      %add3A_139 = arith.addi %add3A, %mul3A_138 : i32
      %min3A_140 = arith.constant 2499 : i32
      %min3A_141 = arith.minsi %add3A_139, %min3A_140 : i32
      %mul3A_142 = arith.constant 1280 : i32
      %mul3A_143 = arith.muli %min3A_141, %mul3A_142 : i32
      %dma_start3A_144 = tpu.memref_slice %arg12[%mul3A_143] : memref<3200000xf32, #tpu.memory_space<hbm>> -> memref<1280xf32, #tpu.memory_space<hbm>>
      %dma_start3A_145 = tpu.memref_slice %arg12[%mul3A_143] : memref<3200000xf32, #tpu.memory_space<hbm>> -> memref<1280xf32, #tpu.memory_space<hbm>>
      tpu.enqueue_dma source(%arg26 : memref<1280xf32, #tpu.memory_space<vmem>>) target(%dma_start3A_145 : memref<1280xf32, #tpu.memory_space<hbm>>) target_semaphore(%arg32 : memref<!tpu.dma_semaphore, #tpu.memory_space<semaphore_mem>>)
      %dma_start3A_146 = arith.constant 0 : i32
      %dma_start3A_147 = tpu.memref_slice %arg11[%dma_start3A_146, %mul3A_143] : memref<2x3200000xi32, #tpu.memory_space<hbm>> -> memref<2x1280xi32, #tpu.memory_space<hbm>>
      %dma_start3A_148 = arith.constant 0 : i32
      %dma_start3A_149 = tpu.memref_slice %arg11[%dma_start3A_148, %mul3A_143] : memref<2x3200000xi32, #tpu.memory_space<hbm>> -> memref<2x1280xi32, #tpu.memory_space<hbm>>
      tpu.enqueue_dma source(%arg27 : memref<2x1280xi32, #tpu.memory_space<vmem>>) target(%dma_start3A_149 : memref<2x1280xi32, #tpu.memory_space<hbm>>) target_semaphore(%arg32 : memref<!tpu.dma_semaphore, #tpu.memory_space<semaphore_mem>>)
      %add3A_150 = arith.constant 2 : i32
      %add3A_151 = arith.addi %mul3A_101, %add3A_150 : i32
      %mul3A_152 = arith.constant 32 : i32
      %mul3A_153 = arith.muli %mul3A_152, %add3A_151 : i32
      %add3A_154 = arith.addi %add3A, %mul3A_153 : i32
      %min3A_155 = arith.constant 2499 : i32
      %min3A_156 = arith.minsi %add3A_154, %min3A_155 : i32
      %mul3A_157 = arith.constant 1280 : i32
      %mul3A_158 = arith.muli %min3A_156, %mul3A_157 : i32
      %dma_start3A_159 = arith.constant 0 : i32
      %dma_start3A_160 = tpu.memref_slice %arg2[%dma_start3A_159, %mul3A_158] : memref<2x3200000xi32, #tpu.memory_space<hbm>> -> memref<2x1280xi32, #tpu.memory_space<hbm>>
      %dma_start3A_161 = arith.constant 0 : i32
      %dma_start3A_162 = tpu.memref_slice %arg2[%dma_start3A_161, %mul3A_158] : memref<2x3200000xi32, #tpu.memory_space<hbm>> -> memref<2x1280xi32, #tpu.memory_space<hbm>>
      tpu.enqueue_dma source(%dma_start3A_162 : memref<2x1280xi32, #tpu.memory_space<hbm>>) target(%arg20 : memref<2x1280xi32, #tpu.memory_space<vmem>>) target_semaphore(%arg30 : memref<!tpu.dma_semaphore, #tpu.memory_space<semaphore_mem>>)
      %dma_start3A_163 = tpu.memref_slice %arg3[%mul3A_158] : memref<3200000xi32, #tpu.memory_space<hbm>> -> memref<1280xi32, #tpu.memory_space<hbm>>
      %dma_start3A_164 = tpu.memref_slice %arg3[%mul3A_158] : memref<3200000xi32, #tpu.memory_space<hbm>> -> memref<1280xi32, #tpu.memory_space<hbm>>
      tpu.enqueue_dma source(%dma_start3A_164 : memref<1280xi32, #tpu.memory_space<hbm>>) target(%arg21 : memref<1280xi32, #tpu.memory_space<vmem>>) target_semaphore(%arg30 : memref<!tpu.dma_semaphore, #tpu.memory_space<semaphore_mem>>)
      %dma_start3A_165 = tpu.memref_slice %arg13[%mul3A_158] : memref<3200000xf32, #tpu.memory_space<hbm>> -> memref<1280xf32, #tpu.memory_space<hbm>>
      %dma_start3A_166 = tpu.memref_slice %arg13[%mul3A_158] : memref<3200000xf32, #tpu.memory_space<hbm>> -> memref<1280xf32, #tpu.memory_space<hbm>>
      tpu.enqueue_dma source(%dma_start3A_166 : memref<1280xf32, #tpu.memory_space<hbm>>) target(%arg22 : memref<1280xf32, #tpu.memory_space<vmem>>) target_semaphore(%arg30 : memref<!tpu.dma_semaphore, #tpu.memory_space<semaphore_mem>>)
      %dma_wait3A_167 = arith.constant 0 : i32
      %dma_wait3A_168 = arith.constant 0 : i32
      %dma_wait3A_169 = tpu.memref_slice %arg2[%dma_wait3A_167, %dma_wait3A_168] : memref<2x3200000xi32, #tpu.memory_space<hbm>> -> memref<2x1280xi32, #tpu.memory_space<hbm>>
      %dma_wait3A_170 = arith.constant 0 : i32
      %dma_wait3A_171 = arith.constant 0 : i32
      %dma_wait3A_172 = tpu.memref_slice %arg2[%dma_wait3A_170, %dma_wait3A_171] : memref<2x3200000xi32, #tpu.memory_space<hbm>> -> memref<2x1280xi32, #tpu.memory_space<hbm>>
      tpu.wait_dma2 semaphore(%arg31 : memref<!tpu.dma_semaphore, #tpu.memory_space<semaphore_mem>>) src(%dma_wait3A_172 : memref<2x1280xi32, #tpu.memory_space<hbm>>) dst(%arg23 : memref<2x1280xi32, #tpu.memory_space<vmem>>)
      %dma_wait3A_173 = arith.constant 0 : i32
      %dma_wait3A_174 = tpu.memref_slice %arg3[%dma_wait3A_173] : memref<3200000xi32, #tpu.memory_space<hbm>> -> memref<1280xi32, #tpu.memory_space<hbm>>
      %dma_wait3A_175 = arith.constant 0 : i32
      %dma_wait3A_176 = tpu.memref_slice %arg3[%dma_wait3A_175] : memref<3200000xi32, #tpu.memory_space<hbm>> -> memref<1280xi32, #tpu.memory_space<hbm>>
      tpu.wait_dma2 semaphore(%arg31 : memref<!tpu.dma_semaphore, #tpu.memory_space<semaphore_mem>>) src(%dma_wait3A_176 : memref<1280xi32, #tpu.memory_space<hbm>>) dst(%arg24 : memref<1280xi32, #tpu.memory_space<vmem>>)
      %dma_wait3A_177 = arith.constant 0 : i32
      %dma_wait3A_178 = tpu.memref_slice %arg13[%dma_wait3A_177] : memref<3200000xf32, #tpu.memory_space<hbm>> -> memref<1280xf32, #tpu.memory_space<hbm>>
      %dma_wait3A_179 = arith.constant 0 : i32
      %dma_wait3A_180 = tpu.memref_slice %arg13[%dma_wait3A_179] : memref<3200000xf32, #tpu.memory_space<hbm>> -> memref<1280xf32, #tpu.memory_space<hbm>>
      tpu.wait_dma2 semaphore(%arg31 : memref<!tpu.dma_semaphore, #tpu.memory_space<semaphore_mem>>) src(%dma_wait3A_180 : memref<1280xf32, #tpu.memory_space<hbm>>) dst(%arg25 : memref<1280xf32, #tpu.memory_space<vmem>>)
      %gt3A_181 = arith.constant 0 : i32
      %gt3A_182 = arith.cmpi sgt, %while3A_99, %gt3A_181 : i32
      %convert_element_type3A_183 = arith.extui %gt3A_182 : i1 to i32
      %cond3A_184 = arith.constant 0 : i32
      %cond3A_185 = arith.cmpi ne, %convert_element_type3A_183, %cond3A_184 : i32
      scf.if %cond3A_185 {
        %dma_wait3A_204 = arith.constant 0 : i32
        %dma_wait3A_205 = tpu.memref_slice %arg12[%dma_wait3A_204] : memref<3200000xf32, #tpu.memory_space<hbm>> -> memref<1280xf32, #tpu.memory_space<hbm>>
        %dma_wait3A_206 = arith.constant 0 : i32
        %dma_wait3A_207 = tpu.memref_slice %arg12[%dma_wait3A_206] : memref<3200000xf32, #tpu.memory_space<hbm>> -> memref<1280xf32, #tpu.memory_space<hbm>>
        tpu.wait_dma2 semaphore(%arg33 : memref<!tpu.dma_semaphore, #tpu.memory_space<semaphore_mem>>) src(%arg28 : memref<1280xf32, #tpu.memory_space<vmem>>) dst(%dma_wait3A_207 : memref<1280xf32, #tpu.memory_space<hbm>>)
        %dma_wait3A_208 = arith.constant 0 : i32
        %dma_wait3A_209 = arith.constant 0 : i32
        %dma_wait3A_210 = tpu.memref_slice %arg11[%dma_wait3A_208, %dma_wait3A_209] : memref<2x3200000xi32, #tpu.memory_space<hbm>> -> memref<2x1280xi32, #tpu.memory_space<hbm>>
        %dma_wait3A_211 = arith.constant 0 : i32
        %dma_wait3A_212 = arith.constant 0 : i32
        %dma_wait3A_213 = tpu.memref_slice %arg11[%dma_wait3A_211, %dma_wait3A_212] : memref<2x3200000xi32, #tpu.memory_space<hbm>> -> memref<2x1280xi32, #tpu.memory_space<hbm>>
        tpu.wait_dma2 semaphore(%arg33 : memref<!tpu.dma_semaphore, #tpu.memory_space<semaphore_mem>>) src(%arg29 : memref<2x1280xi32, #tpu.memory_space<vmem>>) dst(%dma_wait3A_213 : memref<2x1280xi32, #tpu.memory_space<hbm>>)
      } else {
      }
      %parallel_loop3A_186 = arith.constant 0 : i32
      %parallel_loop3A_187 = arith.constant 1280 : i32
      %parallel_loop3A_188 = arith.constant 16 : i32
      scf.for %parallel_loop3A_204 = %parallel_loop3A_186 to %parallel_loop3A_187 step %parallel_loop3A_188  : i32 {
        %parallel_loop3A_205 = arith.constant 0 : i32
        %parallel_loop3A_206 = arith.index_cast %parallel_loop3A_205 : i32 to index
        %parallel_loop3A_207 = arith.index_cast %parallel_loop3A_204 : i32 to index
        %parallel_loop3A_208 = tpu.vector_load %arg23[%parallel_loop3A_206, %parallel_loop3A_207] {strides = array<i32>} : memref<2x1280xi32, #tpu.memory_space<vmem>>, vector<16xi32>,
        %parallel_loop3A_209 = arith.constant 1 : i32
        %parallel_loop3A_210 = arith.index_cast %parallel_loop3A_209 : i32 to index
        %parallel_loop3A_211 = arith.index_cast %parallel_loop3A_204 : i32 to index
        %parallel_loop3A_212 = tpu.vector_load %arg23[%parallel_loop3A_210, %parallel_loop3A_211] {strides = array<i32>} : memref<2x1280xi32, #tpu.memory_space<vmem>>, vector<16xi32>,
        %parallel_loop3A_213 = arith.index_cast %parallel_loop3A_204 : i32 to index
        %parallel_loop3A_214 = tpu.vector_load %arg24[%parallel_loop3A_213] {strides = array<i32>} : memref<1280xi32, #tpu.memory_space<vmem>>, vector<16xi32>,
        %parallel_loop3A_215 = arith.index_cast %parallel_loop3A_204 : i32 to index
        %parallel_loop3A_216 = tpu.vector_load %arg25[%parallel_loop3A_215] {strides = array<i32>} : memref<1280xf32, #tpu.memory_space<vmem>>, vector<16xf32>,
        %parallel_loop3A_217 = tpu.vector_load_idx %arg14[%parallel_loop3A_212] : memref<50000xf32, #tpu.memory_space<vmem>>[vector<16xi32>], vector<16xf32>,
        %parallel_loop3A_218 = tpu.vector_load_idx %arg14[%parallel_loop3A_208] : memref<50000xf32, #tpu.memory_space<vmem>>[vector<16xi32>], vector<16xf32>,
        %parallel_loop3A_219 = tpu.vector_load_idx %arg18[%parallel_loop3A_214] : memref<32xf32, #tpu.memory_space<vmem>>[vector<16xi32>], vector<16xf32>,
        %parallel_loop3A_220 = arith.subf %parallel_loop3A_217, %parallel_loop3A_218 : vector<16xf32>
        %parallel_loop3A_221 = arith.addf %parallel_loop3A_220, %parallel_loop3A_219 : vector<16xf32>
        %parallel_loop3A_222 = arith.mulf %parallel_loop3A_221, %parallel_loop3A_221 : vector<16xf32>
        %parallel_loop3A_223 = arith.addf %parallel_loop3A_216, %parallel_loop3A_222 : vector<16xf32>
        %parallel_loop3A_224 = arith.cmpf ole, %parallel_loop3A_223, %get3A_1 : vector<16xf32>
        %parallel_loop3A_225 = arith.index_cast %parallel_loop3A_204 : i32 to index
        %parallel_loop3A_226 = tpu.vector_load %arg28[%parallel_loop3A_225] {strides = array<i32>} : memref<1280xf32, #tpu.memory_space<vmem>>, vector<16xf32>,
        tpu.vector_store %arg28[%parallel_loop3A_225], %parallel_loop3A_223 {strides = array<i32>} : memref<1280xf32, #tpu.memory_space<vmem>>, vector<16xf32>,
        %parallel_loop3A_227 = arith.select %parallel_loop3A_224, %parallel_loop3A_208, %broadcast_in_dim3A_2 : vector<16xi1>, vector<16xi32>
        %parallel_loop3A_228 = arith.constant 0 : i32
        %parallel_loop3A_229 = arith.index_cast %parallel_loop3A_228 : i32 to index
        %parallel_loop3A_230 = arith.index_cast %parallel_loop3A_204 : i32 to index
        %parallel_loop3A_231 = tpu.vector_load %arg29[%parallel_loop3A_229, %parallel_loop3A_230] {strides = array<i32>} : memref<2x1280xi32, #tpu.memory_space<vmem>>, vector<16xi32>,
        tpu.vector_store %arg29[%parallel_loop3A_229, %parallel_loop3A_230], %parallel_loop3A_227 {strides = array<i32>} : memref<2x1280xi32, #tpu.memory_space<vmem>>, vector<16xi32>,
        %parallel_loop3A_232 = arith.select %parallel_loop3A_224, %parallel_loop3A_212, %broadcast_in_dim3A_2 : vector<16xi1>, vector<16xi32>
        %parallel_loop3A_233 = arith.constant 1 : i32
        %parallel_loop3A_234 = arith.index_cast %parallel_loop3A_233 : i32 to index
        %parallel_loop3A_235 = arith.index_cast %parallel_loop3A_204 : i32 to index
        %parallel_loop3A_236 = tpu.vector_load %arg29[%parallel_loop3A_234, %parallel_loop3A_235] {strides = array<i32>} : memref<2x1280xi32, #tpu.memory_space<vmem>>, vector<16xi32>,
        tpu.vector_store %arg29[%parallel_loop3A_234, %parallel_loop3A_235], %parallel_loop3A_232 {strides = array<i32>} : memref<2x1280xi32, #tpu.memory_space<vmem>>, vector<16xi32>,
      } {sc.loop_unroll_factor = 8 : i64, sc.parallel_access}
      %add3A_189 = arith.constant 1 : i32
      %add3A_190 = arith.addi %mul3A_101, %add3A_189 : i32
      %mul3A_191 = arith.constant 32 : i32
      %mul3A_192 = arith.muli %mul3A_191, %add3A_190 : i32
      %add3A_193 = arith.addi %add3A, %mul3A_192 : i32
      %min3A_194 = arith.constant 2499 : i32
      %min3A_195 = arith.minsi %add3A_193, %min3A_194 : i32
      %mul3A_196 = arith.constant 1280 : i32
      %mul3A_197 = arith.muli %min3A_195, %mul3A_196 : i32
      %dma_start3A_198 = tpu.memref_slice %arg12[%mul3A_197] : memref<3200000xf32, #tpu.memory_space<hbm>> -> memref<1280xf32, #tpu.memory_space<hbm>>
      %dma_start3A_199 = tpu.memref_slice %arg12[%mul3A_197] : memref<3200000xf32, #tpu.memory_space<hbm>> -> memref<1280xf32, #tpu.memory_space<hbm>>
      tpu.enqueue_dma source(%arg28 : memref<1280xf32, #tpu.memory_space<vmem>>) target(%dma_start3A_199 : memref<1280xf32, #tpu.memory_space<hbm>>) target_semaphore(%arg33 : memref<!tpu.dma_semaphore, #tpu.memory_space<semaphore_mem>>)
      %dma_start3A_200 = arith.constant 0 : i32
      %dma_start3A_201 = tpu.memref_slice %arg11[%dma_start3A_200, %mul3A_197] : memref<2x3200000xi32, #tpu.memory_space<hbm>> -> memref<2x1280xi32, #tpu.memory_space<hbm>>
      %dma_start3A_202 = arith.constant 0 : i32
      %dma_start3A_203 = tpu.memref_slice %arg11[%dma_start3A_202, %mul3A_197] : memref<2x3200000xi32, #tpu.memory_space<hbm>> -> memref<2x1280xi32, #tpu.memory_space<hbm>>
      tpu.enqueue_dma source(%arg29 : memref<2x1280xi32, #tpu.memory_space<vmem>>) target(%dma_start3A_203 : memref<2x1280xi32, #tpu.memory_space<hbm>>) target_semaphore(%arg33 : memref<!tpu.dma_semaphore, #tpu.memory_space<semaphore_mem>>)
    }
    %while3A_64 = arith.constant 1 : i32
    scf.for %while3A_99 = %while3A_62 to %while3A_58 step %while3A_64  : i32 {
      %mul3A_100 = arith.constant 2 : i32
      %mul3A_101 = arith.muli %mul3A_100, %while3A_99 : i32
      %add3A_102 = arith.constant 1 : i32
      %add3A_103 = arith.addi %mul3A_101, %add3A_102 : i32
      %mul3A_104 = arith.constant 32 : i32
      %mul3A_105 = arith.muli %mul3A_104, %add3A_103 : i32
      %add3A_106 = arith.addi %add3A, %mul3A_105 : i32
      %min3A_107 = arith.constant 2499 : i32
      %min3A_108 = arith.minsi %add3A_106, %min3A_107 : i32
      %mul3A_109 = arith.constant 1280 : i32
      %mul3A_110 = arith.muli %min3A_108, %mul3A_109 : i32
      %dma_start3A_111 = arith.constant 0 : i32
      %dma_start3A_112 = tpu.memref_slice %arg2[%dma_start3A_111, %mul3A_110] : memref<2x3200000xi32, #tpu.memory_space<hbm>> -> memref<2x1280xi32, #tpu.memory_space<hbm>>
      %dma_start3A_113 = arith.constant 0 : i32
      %dma_start3A_114 = tpu.memref_slice %arg2[%dma_start3A_113, %mul3A_110] : memref<2x3200000xi32, #tpu.memory_space<hbm>> -> memref<2x1280xi32, #tpu.memory_space<hbm>>
      tpu.enqueue_dma source(%dma_start3A_114 : memref<2x1280xi32, #tpu.memory_space<hbm>>) target(%arg23 : memref<2x1280xi32, #tpu.memory_space<vmem>>) target_semaphore(%arg31 : memref<!tpu.dma_semaphore, #tpu.memory_space<semaphore_mem>>)
      %dma_start3A_115 = tpu.memref_slice %arg3[%mul3A_110] : memref<3200000xi32, #tpu.memory_space<hbm>> -> memref<1280xi32, #tpu.memory_space<hbm>>
      %dma_start3A_116 = tpu.memref_slice %arg3[%mul3A_110] : memref<3200000xi32, #tpu.memory_space<hbm>> -> memref<1280xi32, #tpu.memory_space<hbm>>
      tpu.enqueue_dma source(%dma_start3A_116 : memref<1280xi32, #tpu.memory_space<hbm>>) target(%arg24 : memref<1280xi32, #tpu.memory_space<vmem>>) target_semaphore(%arg31 : memref<!tpu.dma_semaphore, #tpu.memory_space<semaphore_mem>>)
      %dma_start3A_117 = tpu.memref_slice %arg13[%mul3A_110] : memref<3200000xf32, #tpu.memory_space<hbm>> -> memref<1280xf32, #tpu.memory_space<hbm>>
      %dma_start3A_118 = tpu.memref_slice %arg13[%mul3A_110] : memref<3200000xf32, #tpu.memory_space<hbm>> -> memref<1280xf32, #tpu.memory_space<hbm>>
      tpu.enqueue_dma source(%dma_start3A_118 : memref<1280xf32, #tpu.memory_space<hbm>>) target(%arg25 : memref<1280xf32, #tpu.memory_space<vmem>>) target_semaphore(%arg31 : memref<!tpu.dma_semaphore, #tpu.memory_space<semaphore_mem>>)
      %dma_wait3A_119 = arith.constant 0 : i32
      %dma_wait3A_120 = arith.constant 0 : i32
      %dma_wait3A_121 = tpu.memref_slice %arg2[%dma_wait3A_119, %dma_wait3A_120] : memref<2x3200000xi32, #tpu.memory_space<hbm>> -> memref<2x1280xi32, #tpu.memory_space<hbm>>
      %dma_wait3A_122 = arith.constant 0 : i32
      %dma_wait3A_123 = arith.constant 0 : i32
      %dma_wait3A_124 = tpu.memref_slice %arg2[%dma_wait3A_122, %dma_wait3A_123] : memref<2x3200000xi32, #tpu.memory_space<hbm>> -> memref<2x1280xi32, #tpu.memory_space<hbm>>
      tpu.wait_dma2 semaphore(%arg30 : memref<!tpu.dma_semaphore, #tpu.memory_space<semaphore_mem>>) src(%dma_wait3A_124 : memref<2x1280xi32, #tpu.memory_space<hbm>>) dst(%arg20 : memref<2x1280xi32, #tpu.memory_space<vmem>>)
      %dma_wait3A_125 = arith.constant 0 : i32
      %dma_wait3A_126 = tpu.memref_slice %arg3[%dma_wait3A_125] : memref<3200000xi32, #tpu.memory_space<hbm>> -> memref<1280xi32, #tpu.memory_space<hbm>>
      %dma_wait3A_127 = arith.constant 0 : i32
      %dma_wait3A_128 = tpu.memref_slice %arg3[%dma_wait3A_127] : memref<3200000xi32, #tpu.memory_space<hbm>> -> memref<1280xi32, #tpu.memory_space<hbm>>
      tpu.wait_dma2 semaphore(%arg30 : memref<!tpu.dma_semaphore, #tpu.memory_space<semaphore_mem>>) src(%dma_wait3A_128 : memref<1280xi32, #tpu.memory_space<hbm>>) dst(%arg21 : memref<1280xi32, #tpu.memory_space<vmem>>)
      %dma_wait3A_129 = arith.constant 0 : i32
      %dma_wait3A_130 = tpu.memref_slice %arg13[%dma_wait3A_129] : memref<3200000xf32, #tpu.memory_space<hbm>> -> memref<1280xf32, #tpu.memory_space<hbm>>
      %dma_wait3A_131 = arith.constant 0 : i32
      %dma_wait3A_132 = tpu.memref_slice %arg13[%dma_wait3A_131] : memref<3200000xf32, #tpu.memory_space<hbm>> -> memref<1280xf32, #tpu.memory_space<hbm>>
      tpu.wait_dma2 semaphore(%arg30 : memref<!tpu.dma_semaphore, #tpu.memory_space<semaphore_mem>>) src(%dma_wait3A_132 : memref<1280xf32, #tpu.memory_space<hbm>>) dst(%arg22 : memref<1280xf32, #tpu.memory_space<vmem>>)
      %gt3A = arith.constant 0 : i32
      %gt3A_133 = arith.cmpi sgt, %while3A_99, %gt3A : i32
      %convert_element_type3A = arith.extui %gt3A_133 : i1 to i32
      %cond3A = arith.constant 0 : i32
      %cond3A_134 = arith.cmpi ne, %convert_element_type3A, %cond3A : i32
      scf.if %cond3A_134 {
        %dma_wait3A_204 = arith.constant 0 : i32
        %dma_wait3A_205 = tpu.memref_slice %arg12[%dma_wait3A_204] : memref<3200000xf32, #tpu.memory_space<hbm>> -> memref<1280xf32, #tpu.memory_space<hbm>>
        %dma_wait3A_206 = arith.constant 0 : i32
        %dma_wait3A_207 = tpu.memref_slice %arg12[%dma_wait3A_206] : memref<3200000xf32, #tpu.memory_space<hbm>> -> memref<1280xf32, #tpu.memory_space<hbm>>
        tpu.wait_dma2 semaphore(%arg32 : memref<!tpu.dma_semaphore, #tpu.memory_space<semaphore_mem>>) src(%arg26 : memref<1280xf32, #tpu.memory_space<vmem>>) dst(%dma_wait3A_207 : memref<1280xf32, #tpu.memory_space<hbm>>)
        %dma_wait3A_208 = arith.constant 0 : i32
        %dma_wait3A_209 = arith.constant 0 : i32
        %dma_wait3A_210 = tpu.memref_slice %arg11[%dma_wait3A_208, %dma_wait3A_209] : memref<2x3200000xi32, #tpu.memory_space<hbm>> -> memref<2x1280xi32, #tpu.memory_space<hbm>>
        %dma_wait3A_211 = arith.constant 0 : i32
        %dma_wait3A_212 = arith.constant 0 : i32
        %dma_wait3A_213 = tpu.memref_slice %arg11[%dma_wait3A_211, %dma_wait3A_212] : memref<2x3200000xi32, #tpu.memory_space<hbm>> -> memref<2x1280xi32, #tpu.memory_space<hbm>>
        tpu.wait_dma2 semaphore(%arg32 : memref<!tpu.dma_semaphore, #tpu.memory_space<semaphore_mem>>) src(%arg27 : memref<2x1280xi32, #tpu.memory_space<vmem>>) dst(%dma_wait3A_213 : memref<2x1280xi32, #tpu.memory_space<hbm>>)
      } else {
      }
      %parallel_loop3A = arith.constant 0 : i32
      %parallel_loop3A_135 = arith.constant 1280 : i32
      %parallel_loop3A_136 = arith.constant 16 : i32
      scf.for %parallel_loop3A_204 = %parallel_loop3A to %parallel_loop3A_135 step %parallel_loop3A_136  : i32 {
        %parallel_loop3A_205 = arith.constant 0 : i32
        %parallel_loop3A_206 = arith.index_cast %parallel_loop3A_205 : i32 to index
        %parallel_loop3A_207 = arith.index_cast %parallel_loop3A_204 : i32 to index
        %parallel_loop3A_208 = tpu.vector_load %arg20[%parallel_loop3A_206, %parallel_loop3A_207] {strides = array<i32>} : memref<2x1280xi32, #tpu.memory_space<vmem>>, vector<16xi32>,
        %parallel_loop3A_209 = arith.constant 1 : i32
        %parallel_loop3A_210 = arith.index_cast %parallel_loop3A_209 : i32 to index
        %parallel_loop3A_211 = arith.index_cast %parallel_loop3A_204 : i32 to index
        %parallel_loop3A_212 = tpu.vector_load %arg20[%parallel_loop3A_210, %parallel_loop3A_211] {strides = array<i32>} : memref<2x1280xi32, #tpu.memory_space<vmem>>, vector<16xi32>,
        %parallel_loop3A_213 = arith.index_cast %parallel_loop3A_204 : i32 to index
        %parallel_loop3A_214 = tpu.vector_load %arg21[%parallel_loop3A_213] {strides = array<i32>} : memref<1280xi32, #tpu.memory_space<vmem>>, vector<16xi32>,
        %parallel_loop3A_215 = arith.index_cast %parallel_loop3A_204 : i32 to index
        %parallel_loop3A_216 = tpu.vector_load %arg22[%parallel_loop3A_215] {strides = array<i32>} : memref<1280xf32, #tpu.memory_space<vmem>>, vector<16xf32>,
        %parallel_loop3A_217 = tpu.vector_load_idx %arg14[%parallel_loop3A_212] : memref<50000xf32, #tpu.memory_space<vmem>>[vector<16xi32>], vector<16xf32>,
        %parallel_loop3A_218 = tpu.vector_load_idx %arg14[%parallel_loop3A_208] : memref<50000xf32, #tpu.memory_space<vmem>>[vector<16xi32>], vector<16xf32>,
        %parallel_loop3A_219 = tpu.vector_load_idx %arg18[%parallel_loop3A_214] : memref<32xf32, #tpu.memory_space<vmem>>[vector<16xi32>], vector<16xf32>,
        %parallel_loop3A_220 = arith.subf %parallel_loop3A_217, %parallel_loop3A_218 : vector<16xf32>
        %parallel_loop3A_221 = arith.addf %parallel_loop3A_220, %parallel_loop3A_219 : vector<16xf32>
        %parallel_loop3A_222 = arith.mulf %parallel_loop3A_221, %parallel_loop3A_221 : vector<16xf32>
        %parallel_loop3A_223 = arith.addf %parallel_loop3A_216, %parallel_loop3A_222 : vector<16xf32>
        %parallel_loop3A_224 = arith.cmpf ole, %parallel_loop3A_223, %get3A_1 : vector<16xf32>
        %parallel_loop3A_225 = arith.index_cast %parallel_loop3A_204 : i32 to index
        %parallel_loop3A_226 = tpu.vector_load %arg26[%parallel_loop3A_225] {strides = array<i32>} : memref<1280xf32, #tpu.memory_space<vmem>>, vector<16xf32>,
        tpu.vector_store %arg26[%parallel_loop3A_225], %parallel_loop3A_223 {strides = array<i32>} : memref<1280xf32, #tpu.memory_space<vmem>>, vector<16xf32>,
        %parallel_loop3A_227 = arith.select %parallel_loop3A_224, %parallel_loop3A_208, %broadcast_in_dim3A_2 : vector<16xi1>, vector<16xi32>
        %parallel_loop3A_228 = arith.constant 0 : i32
        %parallel_loop3A_229 = arith.index_cast %parallel_loop3A_228 : i32 to index
        %parallel_loop3A_230 = arith.index_cast %parallel_loop3A_204 : i32 to index
        %parallel_loop3A_231 = tpu.vector_load %arg27[%parallel_loop3A_229, %parallel_loop3A_230] {strides = array<i32>} : memref<2x1280xi32, #tpu.memory_space<vmem>>, vector<16xi32>,
        tpu.vector_store %arg27[%parallel_loop3A_229, %parallel_loop3A_230], %parallel_loop3A_227 {strides = array<i32>} : memref<2x1280xi32, #tpu.memory_space<vmem>>, vector<16xi32>,
        %parallel_loop3A_232 = arith.select %parallel_loop3A_224, %parallel_loop3A_212, %broadcast_in_dim3A_2 : vector<16xi1>, vector<16xi32>
        %parallel_loop3A_233 = arith.constant 1 : i32
        %parallel_loop3A_234 = arith.index_cast %parallel_loop3A_233 : i32 to index
        %parallel_loop3A_235 = arith.index_cast %parallel_loop3A_204 : i32 to index
        %parallel_loop3A_236 = tpu.vector_load %arg27[%parallel_loop3A_234, %parallel_loop3A_235] {strides = array<i32>} : memref<2x1280xi32, #tpu.memory_space<vmem>>, vector<16xi32>,
        tpu.vector_store %arg27[%parallel_loop3A_234, %parallel_loop3A_235], %parallel_loop3A_232 {strides = array<i32>} : memref<2x1280xi32, #tpu.memory_space<vmem>>, vector<16xi32>,
      } {sc.loop_unroll_factor = 8 : i64, sc.parallel_access}
      %mul3A_137 = arith.constant 32 : i32
      %mul3A_138 = arith.muli %mul3A_137, %mul3A_101 : i32
      %add3A_139 = arith.addi %add3A, %mul3A_138 : i32
      %min3A_140 = arith.constant 2499 : i32
      %min3A_141 = arith.minsi %add3A_139, %min3A_140 : i32
      %mul3A_142 = arith.constant 1280 : i32
      %mul3A_143 = arith.muli %min3A_141, %mul3A_142 : i32
      %dma_start3A_144 = tpu.memref_slice %arg12[%mul3A_143] : memref<3200000xf32, #tpu.memory_space<hbm>> -> memref<1280xf32, #tpu.memory_space<hbm>>
      %dma_start3A_145 = tpu.memref_slice %arg12[%mul3A_143] : memref<3200000xf32, #tpu.memory_space<hbm>> -> memref<1280xf32, #tpu.memory_space<hbm>>
      tpu.enqueue_dma source(%arg26 : memref<1280xf32, #tpu.memory_space<vmem>>) target(%dma_start3A_145 : memref<1280xf32, #tpu.memory_space<hbm>>) target_semaphore(%arg32 : memref<!tpu.dma_semaphore, #tpu.memory_space<semaphore_mem>>)
      %dma_start3A_146 = arith.constant 0 : i32
      %dma_start3A_147 = tpu.memref_slice %arg11[%dma_start3A_146, %mul3A_143] : memref<2x3200000xi32, #tpu.memory_space<hbm>> -> memref<2x1280xi32, #tpu.memory_space<hbm>>
      %dma_start3A_148 = arith.constant 0 : i32
      %dma_start3A_149 = tpu.memref_slice %arg11[%dma_start3A_148, %mul3A_143] : memref<2x3200000xi32, #tpu.memory_space<hbm>> -> memref<2x1280xi32, #tpu.memory_space<hbm>>
      tpu.enqueue_dma source(%arg27 : memref<2x1280xi32, #tpu.memory_space<vmem>>) target(%dma_start3A_149 : memref<2x1280xi32, #tpu.memory_space<hbm>>) target_semaphore(%arg32 : memref<!tpu.dma_semaphore, #tpu.memory_space<semaphore_mem>>)
      %add3A_150 = arith.constant 2 : i32
      %add3A_151 = arith.addi %mul3A_101, %add3A_150 : i32
      %mul3A_152 = arith.constant 32 : i32
      %mul3A_153 = arith.muli %mul3A_152, %add3A_151 : i32
      %add3A_154 = arith.addi %add3A, %mul3A_153 : i32
      %min3A_155 = arith.constant 2499 : i32
      %min3A_156 = arith.minsi %add3A_154, %min3A_155 : i32
      %mul3A_157 = arith.constant 1280 : i32
      %mul3A_158 = arith.muli %min3A_156, %mul3A_157 : i32
      %dma_start3A_159 = arith.constant 0 : i32
      %dma_start3A_160 = tpu.memref_slice %arg2[%dma_start3A_159, %mul3A_158] : memref<2x3200000xi32, #tpu.memory_space<hbm>> -> memref<2x1280xi32, #tpu.memory_space<hbm>>
      %dma_start3A_161 = arith.constant 0 : i32
      %dma_start3A_162 = tpu.memref_slice %arg2[%dma_start3A_161, %mul3A_158] : memref<2x3200000xi32, #tpu.memory_space<hbm>> -> memref<2x1280xi32, #tpu.memory_space<hbm>>
      tpu.enqueue_dma source(%dma_start3A_162 : memref<2x1280xi32, #tpu.memory_space<hbm>>) target(%arg20 : memref<2x1280xi32, #tpu.memory_space<vmem>>) target_semaphore(%arg30 : memref<!tpu.dma_semaphore, #tpu.memory_space<semaphore_mem>>)
      %dma_start3A_163 = tpu.memref_slice %arg3[%mul3A_158] : memref<3200000xi32, #tpu.memory_space<hbm>> -> memref<1280xi32, #tpu.memory_space<hbm>>
      %dma_start3A_164 = tpu.memref_slice %arg3[%mul3A_158] : memref<3200000xi32, #tpu.memory_space<hbm>> -> memref<1280xi32, #tpu.memory_space<hbm>>
      tpu.enqueue_dma source(%dma_start3A_164 : memref<1280xi32, #tpu.memory_space<hbm>>) target(%arg21 : memref<1280xi32, #tpu.memory_space<vmem>>) target_semaphore(%arg30 : memref<!tpu.dma_semaphore, #tpu.memory_space<semaphore_mem>>)
      %dma_start3A_165 = tpu.memref_slice %arg13[%mul3A_158] : memref<3200000xf32, #tpu.memory_space<hbm>> -> memref<1280xf32, #tpu.memory_space<hbm>>
      %dma_start3A_166 = tpu.memref_slice %arg13[%mul3A_158] : memref<3200000xf32, #tpu.memory_space<hbm>> -> memref<1280xf32, #tpu.memory_space<hbm>>
      tpu.enqueue_dma source(%dma_start3A_166 : memref<1280xf32, #tpu.memory_space<hbm>>) target(%arg22 : memref<1280xf32, #tpu.memory_space<vmem>>) target_semaphore(%arg30 : memref<!tpu.dma_semaphore, #tpu.memory_space<semaphore_mem>>)
      %dma_wait3A_167 = arith.constant 0 : i32
      %dma_wait3A_168 = arith.constant 0 : i32
      %dma_wait3A_169 = tpu.memref_slice %arg2[%dma_wait3A_167, %dma_wait3A_168] : memref<2x3200000xi32, #tpu.memory_space<hbm>> -> memref<2x1280xi32, #tpu.memory_space<hbm>>
      %dma_wait3A_170 = arith.constant 0 : i32
      %dma_wait3A_171 = arith.constant 0 : i32
      %dma_wait3A_172 = tpu.memref_slice %arg2[%dma_wait3A_170, %dma_wait3A_171] : memref<2x3200000xi32, #tpu.memory_space<hbm>> -> memref<2x1280xi32, #tpu.memory_space<hbm>>
      tpu.wait_dma2 semaphore(%arg31 : memref<!tpu.dma_semaphore, #tpu.memory_space<semaphore_mem>>) src(%dma_wait3A_172 : memref<2x1280xi32, #tpu.memory_space<hbm>>) dst(%arg23 : memref<2x1280xi32, #tpu.memory_space<vmem>>)
      %dma_wait3A_173 = arith.constant 0 : i32
      %dma_wait3A_174 = tpu.memref_slice %arg3[%dma_wait3A_173] : memref<3200000xi32, #tpu.memory_space<hbm>> -> memref<1280xi32, #tpu.memory_space<hbm>>
      %dma_wait3A_175 = arith.constant 0 : i32
      %dma_wait3A_176 = tpu.memref_slice %arg3[%dma_wait3A_175] : memref<3200000xi32, #tpu.memory_space<hbm>> -> memref<1280xi32, #tpu.memory_space<hbm>>
      tpu.wait_dma2 semaphore(%arg31 : memref<!tpu.dma_semaphore, #tpu.memory_space<semaphore_mem>>) src(%dma_wait3A_176 : memref<1280xi32, #tpu.memory_space<hbm>>) dst(%arg24 : memref<1280xi32, #tpu.memory_space<vmem>>)
      %dma_wait3A_177 = arith.constant 0 : i32
      %dma_wait3A_178 = tpu.memref_slice %arg13[%dma_wait3A_177] : memref<3200000xf32, #tpu.memory_space<hbm>> -> memref<1280xf32, #tpu.memory_space<hbm>>
      %dma_wait3A_179 = arith.constant 0 : i32
      %dma_wait3A_180 = tpu.memref_slice %arg13[%dma_wait3A_179] : memref<3200000xf32, #tpu.memory_space<hbm>> -> memref<1280xf32, #tpu.memory_space<hbm>>
      tpu.wait_dma2 semaphore(%arg31 : memref<!tpu.dma_semaphore, #tpu.memory_space<semaphore_mem>>) src(%dma_wait3A_180 : memref<1280xf32, #tpu.memory_space<hbm>>) dst(%arg25 : memref<1280xf32, #tpu.memory_space<vmem>>)
      %gt3A_181 = arith.constant 0 : i32
      %gt3A_182 = arith.cmpi sgt, %while3A_99, %gt3A_181 : i32
      %convert_element_type3A_183 = arith.extui %gt3A_182 : i1 to i32
      %cond3A_184 = arith.constant 0 : i32
      %cond3A_185 = arith.cmpi ne, %convert_element_type3A_183, %cond3A_184 : i32
      scf.if %cond3A_185 {
        %dma_wait3A_204 = arith.constant 0 : i32
        %dma_wait3A_205 = tpu.memref_slice %arg12[%dma_wait3A_204] : memref<3200000xf32, #tpu.memory_space<hbm>> -> memref<1280xf32, #tpu.memory_space<hbm>>
        %dma_wait3A_206 = arith.constant 0 : i32
        %dma_wait3A_207 = tpu.memref_slice %arg12[%dma_wait3A_206] : memref<3200000xf32, #tpu.memory_space<hbm>> -> memref<1280xf32, #tpu.memory_space<hbm>>
        tpu.wait_dma2 semaphore(%arg33 : memref<!tpu.dma_semaphore, #tpu.memory_space<semaphore_mem>>) src(%arg28 : memref<1280xf32, #tpu.memory_space<vmem>>) dst(%dma_wait3A_207 : memref<1280xf32, #tpu.memory_space<hbm>>)
        %dma_wait3A_208 = arith.constant 0 : i32
        %dma_wait3A_209 = arith.constant 0 : i32
        %dma_wait3A_210 = tpu.memref_slice %arg11[%dma_wait3A_208, %dma_wait3A_209] : memref<2x3200000xi32, #tpu.memory_space<hbm>> -> memref<2x1280xi32, #tpu.memory_space<hbm>>
        %dma_wait3A_211 = arith.constant 0 : i32
        %dma_wait3A_212 = arith.constant 0 : i32
        %dma_wait3A_213 = tpu.memref_slice %arg11[%dma_wait3A_211, %dma_wait3A_212] : memref<2x3200000xi32, #tpu.memory_space<hbm>> -> memref<2x1280xi32, #tpu.memory_space<hbm>>
        tpu.wait_dma2 semaphore(%arg33 : memref<!tpu.dma_semaphore, #tpu.memory_space<semaphore_mem>>) src(%arg29 : memref<2x1280xi32, #tpu.memory_space<vmem>>) dst(%dma_wait3A_213 : memref<2x1280xi32, #tpu.memory_space<hbm>>)
      } else {
      }
      %parallel_loop3A_186 = arith.constant 0 : i32
      %parallel_loop3A_187 = arith.constant 1280 : i32
      %parallel_loop3A_188 = arith.constant 16 : i32
      scf.for %parallel_loop3A_204 = %parallel_loop3A_186 to %parallel_loop3A_187 step %parallel_loop3A_188  : i32 {
        %parallel_loop3A_205 = arith.constant 0 : i32
        %parallel_loop3A_206 = arith.index_cast %parallel_loop3A_205 : i32 to index
        %parallel_loop3A_207 = arith.index_cast %parallel_loop3A_204 : i32 to index
        %parallel_loop3A_208 = tpu.vector_load %arg23[%parallel_loop3A_206, %parallel_loop3A_207] {strides = array<i32>} : memref<2x1280xi32, #tpu.memory_space<vmem>>, vector<16xi32>,
        %parallel_loop3A_209 = arith.constant 1 : i32
        %parallel_loop3A_210 = arith.index_cast %parallel_loop3A_209 : i32 to index
        %parallel_loop3A_211 = arith.index_cast %parallel_loop3A_204 : i32 to index
        %parallel_loop3A_212 = tpu.vector_load %arg23[%parallel_loop3A_210, %parallel_loop3A_211] {strides = array<i32>} : memref<2x1280xi32, #tpu.memory_space<vmem>>, vector<16xi32>,
        %parallel_loop3A_213 = arith.index_cast %parallel_loop3A_204 : i32 to index
        %parallel_loop3A_214 = tpu.vector_load %arg24[%parallel_loop3A_213] {strides = array<i32>} : memref<1280xi32, #tpu.memory_space<vmem>>, vector<16xi32>,
        %parallel_loop3A_215 = arith.index_cast %parallel_loop3A_204 : i32 to index
        %parallel_loop3A_216 = tpu.vector_load %arg25[%parallel_loop3A_215] {strides = array<i32>} : memref<1280xf32, #tpu.memory_space<vmem>>, vector<16xf32>,
        %parallel_loop3A_217 = tpu.vector_load_idx %arg14[%parallel_loop3A_212] : memref<50000xf32, #tpu.memory_space<vmem>>[vector<16xi32>], vector<16xf32>,
        %parallel_loop3A_218 = tpu.vector_load_idx %arg14[%parallel_loop3A_208] : memref<50000xf32, #tpu.memory_space<vmem>>[vector<16xi32>], vector<16xf32>,
        %parallel_loop3A_219 = tpu.vector_load_idx %arg18[%parallel_loop3A_214] : memref<32xf32, #tpu.memory_space<vmem>>[vector<16xi32>], vector<16xf32>,
        %parallel_loop3A_220 = arith.subf %parallel_loop3A_217, %parallel_loop3A_218 : vector<16xf32>
        %parallel_loop3A_221 = arith.addf %parallel_loop3A_220, %parallel_loop3A_219 : vector<16xf32>
        %parallel_loop3A_222 = arith.mulf %parallel_loop3A_221, %parallel_loop3A_221 : vector<16xf32>
        %parallel_loop3A_223 = arith.addf %parallel_loop3A_216, %parallel_loop3A_222 : vector<16xf32>
        %parallel_loop3A_224 = arith.cmpf ole, %parallel_loop3A_223, %get3A_1 : vector<16xf32>
        %parallel_loop3A_225 = arith.index_cast %parallel_loop3A_204 : i32 to index
        %parallel_loop3A_226 = tpu.vector_load %arg28[%parallel_loop3A_225] {strides = array<i32>} : memref<1280xf32, #tpu.memory_space<vmem>>, vector<16xf32>,
        tpu.vector_store %arg28[%parallel_loop3A_225], %parallel_loop3A_223 {strides = array<i32>} : memref<1280xf32, #tpu.memory_space<vmem>>, vector<16xf32>,
        %parallel_loop3A_227 = arith.select %parallel_loop3A_224, %parallel_loop3A_208, %broadcast_in_dim3A_2 : vector<16xi1>, vector<16xi32>
        %parallel_loop3A_228 = arith.constant 0 : i32
        %parallel_loop3A_229 = arith.index_cast %parallel_loop3A_228 : i32 to index
        %parallel_loop3A_230 = arith.index_cast %parallel_loop3A_204 : i32 to index
        %parallel_loop3A_231 = tpu.vector_load %arg29[%parallel_loop3A_229, %parallel_loop3A_230] {strides = array<i32>} : memref<2x1280xi32, #tpu.memory_space<vmem>>, vector<16xi32>,
        tpu.vector_store %arg29[%parallel_loop3A_229, %parallel_loop3A_230], %parallel_loop3A_227 {strides = array<i32>} : memref<2x1280xi32, #tpu.memory_space<vmem>>, vector<16xi32>,
        %parallel_loop3A_232 = arith.select %parallel_loop3A_224, %parallel_loop3A_212, %broadcast_in_dim3A_2 : vector<16xi1>, vector<16xi32>
        %parallel_loop3A_233 = arith.constant 1 : i32
        %parallel_loop3A_234 = arith.index_cast %parallel_loop3A_233 : i32 to index
        %parallel_loop3A_235 = arith.index_cast %parallel_loop3A_204 : i32 to index
        %parallel_loop3A_236 = tpu.vector_load %arg29[%parallel_loop3A_234, %parallel_loop3A_235] {strides = array<i32>} : memref<2x1280xi32, #tpu.memory_space<vmem>>, vector<16xi32>,
        tpu.vector_store %arg29[%parallel_loop3A_234, %parallel_loop3A_235], %parallel_loop3A_232 {strides = array<i32>} : memref<2x1280xi32, #tpu.memory_space<vmem>>, vector<16xi32>,
      } {sc.loop_unroll_factor = 8 : i64, sc.parallel_access}
      %add3A_189 = arith.constant 1 : i32
      %add3A_190 = arith.addi %mul3A_101, %add3A_189 : i32
      %mul3A_191 = arith.constant 32 : i32
      %mul3A_192 = arith.muli %mul3A_191, %add3A_190 : i32
      %add3A_193 = arith.addi %add3A, %mul3A_192 : i32
      %min3A_194 = arith.constant 2499 : i32
      %min3A_195 = arith.minsi %add3A_193, %min3A_194 : i32
      %mul3A_196 = arith.constant 1280 : i32
      %mul3A_197 = arith.muli %min3A_195, %mul3A_196 : i32
      %dma_start3A_198 = tpu.memref_slice %arg12[%mul3A_197] : memref<3200000xf32, #tpu.memory_space<hbm>> -> memref<1280xf32, #tpu.memory_space<hbm>>
      %dma_start3A_199 = tpu.memref_slice %arg12[%mul3A_197] : memref<3200000xf32, #tpu.memory_space<hbm>> -> memref<1280xf32, #tpu.memory_space<hbm>>
      tpu.enqueue_dma source(%arg28 : memref<1280xf32, #tpu.memory_space<vmem>>) target(%dma_start3A_199 : memref<1280xf32, #tpu.memory_space<hbm>>) target_semaphore(%arg33 : memref<!tpu.dma_semaphore, #tpu.memory_space<semaphore_mem>>)
      %dma_start3A_200 = arith.constant 0 : i32
      %dma_start3A_201 = tpu.memref_slice %arg11[%dma_start3A_200, %mul3A_197] : memref<2x3200000xi32, #tpu.memory_space<hbm>> -> memref<2x1280xi32, #tpu.memory_space<hbm>>
      %dma_start3A_202 = arith.constant 0 : i32
      %dma_start3A_203 = tpu.memref_slice %arg11[%dma_start3A_202, %mul3A_197] : memref<2x3200000xi32, #tpu.memory_space<hbm>> -> memref<2x1280xi32, #tpu.memory_space<hbm>>
      tpu.enqueue_dma source(%arg29 : memref<2x1280xi32, #tpu.memory_space<vmem>>) target(%dma_start3A_203 : memref<2x1280xi32, #tpu.memory_space<hbm>>) target_semaphore(%arg33 : memref<!tpu.dma_semaphore, #tpu.memory_space<semaphore_mem>>)
    }
    %dma_wait3A_65 = arith.constant 0 : i32
    %dma_wait3A_66 = arith.constant 0 : i32
    %dma_wait3A_67 = tpu.memref_slice %arg2[%dma_wait3A_65, %dma_wait3A_66] : memref<2x3200000xi32, #tpu.memory_space<hbm>> -> memref<2x1280xi32, #tpu.memory_space<hbm>>
    %dma_wait3A_68 = arith.constant 0 : i32
    %dma_wait3A_69 = arith.constant 0 : i32
    %dma_wait3A_70 = tpu.memref_slice %arg2[%dma_wait3A_68, %dma_wait3A_69] : memref<2x3200000xi32, #tpu.memory_space<hbm>> -> memref<2x1280xi32, #tpu.memory_space<hbm>>
    tpu.wait_dma2 semaphore(%arg30 : memref<!tpu.dma_semaphore, #tpu.memory_space<semaphore_mem>>) src(%dma_wait3A_70 : memref<2x1280xi32, #tpu.memory_space<hbm>>) dst(%arg20 : memref<2x1280xi32, #tpu.memory_space<vmem>>)
    %dma_wait3A_71 = arith.constant 0 : i32
    %dma_wait3A_72 = tpu.memref_slice %arg3[%dma_wait3A_71] : memref<3200000xi32, #tpu.memory_space<hbm>> -> memref<1280xi32, #tpu.memory_space<hbm>>
    %dma_wait3A_73 = arith.constant 0 : i32
    %dma_wait3A_74 = tpu.memref_slice %arg3[%dma_wait3A_73] : memref<3200000xi32, #tpu.memory_space<hbm>> -> memref<1280xi32, #tpu.memory_space<hbm>>
    tpu.wait_dma2 semaphore(%arg30 : memref<!tpu.dma_semaphore, #tpu.memory_space<semaphore_mem>>) src(%dma_wait3A_74 : memref<1280xi32, #tpu.memory_space<hbm>>) dst(%arg21 : memref<1280xi32, #tpu.memory_space<vmem>>)
    %dma_wait3A_75 = arith.constant 0 : i32
    %dma_wait3A_76 = tpu.memref_slice %arg13[%dma_wait3A_75] : memref<3200000xf32, #tpu.memory_space<hbm>> -> memref<1280xf32, #tpu.memory_space<hbm>>
    %dma_wait3A_77 = arith.constant 0 : i32
    %dma_wait3A_78 = tpu.memref_slice %arg13[%dma_wait3A_77] : memref<3200000xf32, #tpu.memory_space<hbm>> -> memref<1280xf32, #tpu.memory_space<hbm>>
    tpu.wait_dma2 semaphore(%arg30 : memref<!tpu.dma_semaphore, #tpu.memory_space<semaphore_mem>>) src(%dma_wait3A_78 : memref<1280xf32, #tpu.memory_space<hbm>>) dst(%arg22 : memref<1280xf32, #tpu.memory_space<vmem>>)
    %dma_wait3A_79 = arith.constant 0 : i32
    %dma_wait3A_80 = tpu.memref_slice %arg12[%dma_wait3A_79] : memref<3200000xf32, #tpu.memory_space<hbm>> -> memref<1280xf32, #tpu.memory_space<hbm>>
    %dma_wait3A_81 = arith.constant 0 : i32
    %dma_wait3A_82 = tpu.memref_slice %arg12[%dma_wait3A_81] : memref<3200000xf32, #tpu.memory_space<hbm>> -> memref<1280xf32, #tpu.memory_space<hbm>>
    tpu.wait_dma2 semaphore(%arg32 : memref<!tpu.dma_semaphore, #tpu.memory_space<semaphore_mem>>) src(%arg26 : memref<1280xf32, #tpu.memory_space<vmem>>) dst(%dma_wait3A_82 : memref<1280xf32, #tpu.memory_space<hbm>>)
    %dma_wait3A_83 = arith.constant 0 : i32
    %dma_wait3A_84 = arith.constant 0 : i32
    %dma_wait3A_85 = tpu.memref_slice %arg11[%dma_wait3A_83, %dma_wait3A_84] : memref<2x3200000xi32, #tpu.memory_space<hbm>> -> memref<2x1280xi32, #tpu.memory_space<hbm>>
    %dma_wait3A_86 = arith.constant 0 : i32
    %dma_wait3A_87 = arith.constant 0 : i32
    %dma_wait3A_88 = tpu.memref_slice %arg11[%dma_wait3A_86, %dma_wait3A_87] : memref<2x3200000xi32, #tpu.memory_space<hbm>> -> memref<2x1280xi32, #tpu.memory_space<hbm>>
    tpu.wait_dma2 semaphore(%arg32 : memref<!tpu.dma_semaphore, #tpu.memory_space<semaphore_mem>>) src(%arg27 : memref<2x1280xi32, #tpu.memory_space<vmem>>) dst(%dma_wait3A_88 : memref<2x1280xi32, #tpu.memory_space<hbm>>)
    %dma_wait3A_89 = arith.constant 0 : i32
    %dma_wait3A_90 = tpu.memref_slice %arg12[%dma_wait3A_89] : memref<3200000xf32, #tpu.memory_space<hbm>> -> memref<1280xf32, #tpu.memory_space<hbm>>
    %dma_wait3A_91 = arith.constant 0 : i32
    %dma_wait3A_92 = tpu.memref_slice %arg12[%dma_wait3A_91] : memref<3200000xf32, #tpu.memory_space<hbm>> -> memref<1280xf32, #tpu.memory_space<hbm>>
    tpu.wait_dma2 semaphore(%arg33 : memref<!tpu.dma_semaphore, #tpu.memory_space<semaphore_mem>>) src(%arg28 : memref<1280xf32, #tpu.memory_space<vmem>>) dst(%dma_wait3A_92 : memref<1280xf32, #tpu.memory_space<hbm>>)
    %dma_wait3A_93 = arith.constant 0 : i32
    %dma_wait3A_94 = arith.constant 0 : i32
    %dma_wait3A_95 = tpu.memref_slice %arg11[%dma_wait3A_93, %dma_wait3A_94] : memref<2x3200000xi32, #tpu.memory_space<hbm>> -> memref<2x1280xi32, #tpu.memory_space<hbm>>
    %dma_wait3A_96 = arith.constant 0 : i32
    %dma_wait3A_97 = arith.constant 0 : i32
    %dma_wait3A_98 = tpu.memref_slice %arg11[%dma_wait3A_96, %dma_wait3A_97] : memref<2x3200000xi32, #tpu.memory_space<hbm>> -> memref<2x1280xi32, #tpu.memory_space<hbm>>
    tpu.wait_dma2 semaphore(%arg33 : memref<!tpu.dma_semaphore, #tpu.memory_space<semaphore_mem>>) src(%arg29 : memref<2x1280xi32, #tpu.memory_space<vmem>>) dst(%dma_wait3A_98 : memref<2x1280xi32, #tpu.memory_space<hbm>>)
    return
  }
}

</mosaic_0001>

<sc_bundles>
// kernel: kernel.3.cloned.1.call-start
scs
__scs_entry_jumppad:
0x0: {  	(pc) =	sbr.rel $0x88, $3  }
0x1: {  	(tag) =	ssettag $0x0;
	lr =	simm.s32 $0x1  }
0x2: {  	[smem:$0x3F9A] =	sst lr;
	_ =	strace $0xD0000000  }
0x3: {  	_ = 	snop  }
0x4: {  	_ = 	snop  }
0x5: {  	_ = 	snop  }
0x6: {  	_ = 	snop  }
0x7: {  	_ = 	snop  }
__scs_overlays_trampoline_lowered:
0x8: {  	[smem:$0x3FA9] =	sst s0  }
0x9: {  	[smem:$0x3FAA] =	sst s1  }
0xa: {  	[smem:$0x3FAB] =	sst s2  }
0xb: {  	[smem:$0x3FAC] =	sst s3  }
0xc: {  	[smem:$0x3FAD] =	sst s4  }
0xd: {  	[smem:$0x3FAE] =	sst s5  }
0xe: {  	[smem:$0x3FAF] =	sst s6  }
0xf: {  	[smem:$0x3FB0] =	sst s7  }
0x10: {  	[smem:$0x3FB1] =	sst s8  }
0x11: {  	[smem:$0x3FB2] =	sst s9;
	s0 =	simm.s32 @!p0 $0x0  }
0x12: {  	s1 =	sld [smem:$0x3F98];
	s0 =	simm.s32 @p0 $0x1  }
0x13: {  	[smem:$0x3FB3] =	sst s0;
	s0 =	simm.s32 @!p1 $0x0  }
0x14: {  	s2 =	sld [smem:$0x3F97];
	s0 =	simm.s32 @p1 $0x1  }
0x15: {  	[smem:$0x3FB4] =	sst s0;
	s0 =	simm.s32 @!p2 $0x0  }
0x16: {  	s3 =	sld [smem:$0x3FDB];
	s0 =	simm.s32 @p2 $0x1  }
0x17: {  	s4 =	simm.s32 $0x1BF5;
	[smem:$0x3FB6] =	sst s0  }
0x18: {  	s0 =	sld [smem:$0x3F99];
	_ =	swait.ge [sflag:s4], $0x0  }
0x19: {  	s7 =	sld [smem:$0x3F9A]  }
0x1a: {  	s8 =	sadd.s32 $0xFFFFE003, lr  }
0x1b: {  	s9 =	sadd.s32 $0xFFFFFEF7, lr;
	s5 =	simm.s32 $0xFFFFFFFF;
	p2 =	slt.u32 s8, $0xFFFFF086  }
0x1c: {  	p1 =	slt.u32 s9, $0xF7A;
	s5 =	simm.s32 @!p2 $0x0  }
0x1d: {  	s5 =	simm.s32 @p1 $0x1;
	p0 =	seq.s32 s7, s2  }
0x1e: {  	s7 =	smul.u32 @!p0 $0xF7A, s2;
	p2 =	seq.s32 @!p0 s5, $0x0  }
0x1f: {  	s9 =	smul.u32 $0xF7A, s1;
	s8 =	simm.s32 @!p0 $0x1BF5;
	p2 =	por !p2, p0  }
0x20: {  	[sflag:s8] =	ssyncset.s32 @!p0 $0xFFFFF086;
	s6 =	sadd.s32 @!p0 s3, s7;
	s7 =	simm.s32 @!p0 $0x108  }
0x21: {  	s3 =	sadd.s32 s3, s9;
	s6 =	sadd.s32 @!p0 $0x88, s6;
	s7 =	simm.s32 @p2 $0x1082  }
0x22: {  	[simem:s7], [sflag:s8] =	dma.local @!p0 [hbm:s6], $0xF7A  }
0x23: {  	s9 =	sor.u32 $0xD0000000, s2;
	s6 =	simm.s32 $0x108;
	_ =	swait.ge @!p0 [sflag:s8], $0x0  }
0x24: {  	s3 =	sadd.s32 $0x88, s3;
	s6 =	simm.s32 @!p1 $0x1082;
	[sflag:s4] =	ssyncset.s32 $0xFFFFF086  }
0x25: {  	[simem:s6], [sflag:s4] =	dma.local [hbm:s3], $0xF7A  }
0x26: {  	[smem:$0x3F9A] =	sst s1;
	(tag) =	ssettag s2;
	_ =	strace s9  }
0x27: {  	s1 =	sld [smem:$0x3FAA]  }
0x28: {  	s2 =	sld [smem:$0x3FAB]  }
0x29: {  	s4 =	sld [smem:$0x3FAD]  }
0x2a: {  	p0 =	seq.s32 s5, $0x0;
	s5 =	sld [smem:$0x3FAE]  }
0x2b: {  	s6 =	sld [smem:$0x3FAF]  }
0x2c: {  	s7 =	sld [smem:$0x3FB0]  }
0x2d: {  	s3 =	simm.s32 $0x108;
	s8 =	sld [smem:$0x3FB1]  }
0x2e: {  	s3 =	simm.s32 @!p0 $0x1082;
	s9 =	sld [smem:$0x3FB2]  }
0x2f: {  	lr =	sadd.s32 s0, s3;
	s0 =	sld [smem:$0x3FA9]  }
0x30: {  	s3 =	sld [smem:$0x3FAC]  }
0x31: {  	[smem:$0x3FB5] =	sst s10  }
0x32: {  	s10 =	sld [smem:$0x3FB3];
	_ =	sdelay $0x3  }
0x33: {  	p0 =	seq.s32 s10, $0x1;
	s10 =	sld [smem:$0x3FB5];
	_ =	sdelay $0x3  }
0x34: {  	[smem:$0x3FB5] =	sst s10  }
0x35: {  	s10 =	sld [smem:$0x3FB4];
	_ =	sdelay $0x3  }
0x36: {  	p1 =	seq.s32 s10, $0x1;
	s10 =	sld [smem:$0x3FB5];
	_ =	sdelay $0x3  }
0x37: {  	[smem:$0x3FB5] =	sst s10  }
0x38: {  	s10 =	sld [smem:$0x3FB6]  }
0x39: {  	_ = 	snop;
	(pc) =	sbr.ind lr, $3  }
0x3a: {  	_ = 	snop  }
0x3b: {  	_ = 	snop  }
0x3c: {  	p2 =	seq.s32 s10, $0x1;
	s10 =	sld [smem:$0x3FB5]  }
0x3d: {  	_ =	shalt  }
0x3e: {  	_ =	shalt  }
0x3f: {  	_ =	shalt  }
0x40: {  	_ =	shalt  }
0x41: {  	_ =	shalt  }
0x42: {  	_ =	shalt  }
0x43: {  	_ =	shalt  }
0x44: {  	_ =	shalt  }
0x45: {  	_ =	shalt  }
0x46: {  	_ =	shalt  }
0x47: {  	_ =	shalt  }
0x48: {  	_ =	shalt  }
0x49: {  	_ =	shalt  }
0x4a: {  	_ =	shalt  }
0x4b: {  	_ =	shalt  }
0x4c: {  	_ =	shalt  }
0x4d: {  	_ =	shalt  }
0x4e: {  	_ =	shalt  }
0x4f: {  	_ =	shalt  }
0x50: {  	_ =	shalt  }
0x51: {  	_ =	shalt  }
0x52: {  	_ =	shalt  }
0x53: {  	_ =	shalt  }
0x54: {  	_ =	shalt  }
0x55: {  	_ =	shalt  }
0x56: {  	_ =	shalt  }
0x57: {  	_ =	shalt  }
0x58: {  	_ =	shalt  }
0x59: {  	_ =	shalt  }
0x5a: {  	_ =	shalt  }
0x5b: {  	_ =	shalt  }
0x5c: {  	_ =	shalt  }
0x5d: {  	_ =	shalt  }
0x5e: {  	_ =	shalt  }
0x5f: {  	_ =	shalt  }
0x60: {  	_ =	shalt  }
0x61: {  	_ =	shalt  }
0x62: {  	_ =	shalt  }
0x63: {  	_ =	shalt  }
0x64: {  	_ =	shalt  }
0x65: {  	_ =	shalt  }
0x66: {  	_ =	shalt  }
0x67: {  	_ =	shalt  }
0x68: {  	_ =	shalt  }
0x69: {  	_ =	shalt  }
0x6a: {  	_ =	shalt  }
0x6b: {  	_ =	shalt  }
0x6c: {  	_ =	shalt  }
0x6d: {  	_ =	shalt  }
0x6e: {  	_ =	shalt  }
0x6f: {  	_ =	shalt  }
0x70: {  	_ =	shalt  }
0x71: {  	_ =	shalt  }
0x72: {  	_ =	shalt  }
0x73: {  	_ =	shalt  }
0x74: {  	_ =	shalt  }
0x75: {  	_ =	shalt  }
0x76: {  	_ =	shalt  }
0x77: {  	_ =	shalt  }
0x78: {  	_ =	shalt  }
0x79: {  	_ =	shalt  }
0x7a: {  	_ =	shalt  }
0x7b: {  	_ =	shalt  }
0x7c: {  	_ =	shalt  }
0x7d: {  	_ =	shalt  }
0x7e: {  	_ =	shalt  }
0x7f: {  	_ =	shalt  }
0x80: {  	_ =	shalt  }
0x81: {  	_ =	shalt  }
0x82: {  	_ =	shalt  }
0x83: {  	_ =	shalt  }
0x84: {  	_ =	shalt  }
0x85: {  	_ =	shalt  }
0x86: {  	_ =	shalt  }
0x87: {  	_ =	shalt  }
.Lfunc_end0:
.L_simem_size_0:
called_computation_lowered:
.L_overlay_start_0:
0x88: {  	s2 =	sld [smem:$0x3FD9]  }
0x89: {  	s3 =	sld [smem:$0x3FFE];
	_ =	sdelay $0x1  }
0x8a: {  	s1 =	srdreg.scid  }
0x8b: {  	s0 =	sand.u32 $0x1, s1  }
0x8c: {  	s14 =	sshll.u32 s0, $0xA;
	s2 =	sadd.s32 s3, s2  }
0x8d: {  	s2 =	sadd.s32 s2, s14  }
0x8e: {  	[smem:$0x3FC1] =	sst s2  }
0x8f: {  	_ = 	snop  }
0x90: {  	s2 =	sld [smem:$0x3FD0];
	_ =	sdelay $0x1  }
0x91: {  	s15 =	sld [smem:$0x3FC5]  }
0x92: {  	s5 =	simm.s32 $0xA;
	s6 =	simm.s32 $0x10;
	s4 =	sld [smem:$0x3FC4]  }
0x93: {  	[smem:s6], [sflag:s5] =	dma.local [hbm:s2], $0x1  }
0x94: {  	_ =	swait.eq [sflag:s5], $0x1  }
0x95: {  	[sflag:s5] =	ssyncset.done $0x0  }
0x96: {  	s16 =	sld [smem:$0x10];
	[sflag:s5] =	ssyncadd.s32 $0xFFFFFFFF  }
0x97: {  	s17 =	sld [smem:$0x11];
	(tm) =	ssettm $0x1  }
0x98: {  	s18 =	sld [smem:$0x3FFB];
	_ =	sdelay $0x3  }
0x99: {  	_ =	strace s18  }
0x9a: {  	s6 =	sld [smem:$0x3FFC];
	_ =	sdelay $0x3  }
0x9b: {  	_ =	strace s6  }
0x9c: {  	s6 =	sld [smem:$0x3FFD];
	_ =	sdelay $0x3  }
0x9d: {  	_ =	strace s6  }
0x9e: {  	_ =	strace $0x8FFFFFFF  }
0x9f: {  	s19 =	sld [smem:$0x3FDB];
	_ =	sdelay $0x1  }
0xa0: {  	s7 =	simm.s32 $_scs_section_size  }
0xa1: {  	s8 =	simm.s32 $_size__tile_overlayer_lowered;
	s9 =	simm.s32 $_tile_overlayer_lowered  }
0xa2: {  	s22 =	simm.s32 $0x1BFF;
	s21 =	sshll.u32 s9, $0x1;
	s6 =	sadd.s32 s7, s19  }
0xa3: {  	s10 =	simm.s32 $0x0;
	s20 =	sshll.u32 s8, $0x1;
	s8 =	sadd.s32 s21, s6  }
0xa4: {  	[timem:s10], [sflag:s22] =	dma.local [hbm:s8], s20  }
0xa5: {  	_ =	swait.ge [sflag:s22], s20  }
0xa6: {  	s7 =	ssub.s32 $0x0, s20;
	[sflag:s22] =	ssyncset.done $0x0  }
0xa7: {  	[sflag:s22] =	ssyncadd.s32 s7;
	_ =	sdelay $0x1  }
0xa8: {  	s23 =	simm.s32 $0x1B8B  }
0xa9: {  	_ =	swait.ge [sflag:s23], $0x1  }
0xaa: {  	[sflag:s23] =	ssyncset.done $0x0  }
0xab: {  	s25 =	simm.s32 $0x1B8E;
	s24 =	sld [smem:$0x3FFE];
	[sflag:s23] =	ssyncadd.s32 $0xFFFFFFFF  }
0xac: {  	s26 =	simm.s32 $execute0_lowered;
	[smem:$0x3FD2] =	sst s25  }
0xad: {  	s8 =	sshll.u32 s26, $0x1;
	_ =	strace $0x80000046;
	[dreg:$0x1] =	wrdreg $0xFFFFFFFF  }
0xae: {  	s28 =	simm.s32 $_size_execute0_lowered;
	s6 =	sadd.s32 s6, s8;
	[dreg:$0x0] =	wrdreg $0x0  }
0xaf: {  	s8 =	sshll.u32 s28, $0x1;
	[dreg:$0x2] =	wrdreg s6  }
0xb0: {  	[dreg:$0x3] =	wrdreg s8  }
0xb1: {  	[dreg:$0x4] =	wrdreg $0xC0  }
0xb2: {  	_ =	task [dreg:s10], $0x5FFFF  }
0xb3: {  	[dreg:$0x1] =	wrdreg $0xFFFFFFFF  }
0xb4: {  	[dreg:$0x0] =	wrdreg $0x60  }
0xb5: {  	[dreg:$0x2] =	wrdreg s15  }
0xb6: {  	[dreg:$0x3] =	wrdreg s4  }
0xb7: {  	[dreg:$0x4] =	wrdreg s24  }
0xb8: {  	[dreg:$0x5] =	wrdreg s16  }
0xb9: {  	[dreg:$0x6] =	wrdreg s17  }
0xba: {  	[dreg:$0x7] =	wrdreg $0x9  }
0xbb: {  	_ =	task.clear_ibuf [dreg:s10], $0x8FFFF;
	_ =	strace $0x90000046  }
0xbc: {  	s29 =	simm.s32 $0x9;
	_ =	strace $0x80000048  }
0xbd: {  	_ =	swait.ge [sflag:s29], $0x1  }
0xbe: {  	[sflag:s29] =	ssyncadd.s32 $0xFFFFFFFF  }
0xbf: {  	_ =	strace $0x90000048  }
0xc0: {  	_ =	sfence  }
0xc1: {  	s30 =	sld [smem:$0x0];
	_ =	sdelay $0x2  }
0xc2: {  	s31 =	sshll.u32 s1, $0xD;
	s1 =	sshrl.u32 s1, $0x2  }
0xc3: {  	s3 =	sand.u32 $0x4000, s31;
	s1 =	sadd.s32 s1, s30  }
0xc4: {  	s0 =	sor.u32 s3, s0;
	s1 =	sshll.u32 s1, $0x11  }
0xc5: {  	s0 =	sor.u32 s1, s0  }
0xc6: {  	s0 =	sadd.s32 $0x8F2B, s0  }
0xc7: {  	[sflag:s0] =	ssyncadd.remote.s32 $0x1  }
0xc8: {  	_ =	sfence.sel $0xFFFF  }
0xc9: {  	[dreg:$0x0] =	wrdreg $0xFFFFFFFF;
	(pc) =	sbr.abs _section_cstart, $3  }
0xca: {  	[dreg:$0x1] =	wrdreg $0xFFFFFFFF  }
0xcb: {  	_ =	task.clear_ibuf [dreg:s10], $0x2FFFF;
	_ =	strace $0x9FFFFFFF  }
0xcc: {  	(tm) =	ssettm $0x7FFFFFFF  }
0xcd: {  	_ =	shalt  }
tec
execute0_lowered:
.L_overlay_start_1:
0x0: {  	(tag) =	ssettag $0x1  }
0x1: {  	s1 =	rddreg [dreg:$0x0]  }
0x2: {  	s2 =	rddreg [dreg:$0x1]  }
0x3: {  	s4 =	rddreg [dreg:$0x2]  }
0x4: {  	s22 =	rddreg [dreg:$0x3]  }
0x5: {  	s31 =	rddreg [dreg:$0x4]  }
0x6: {  	s6 =	simm.s32 $0x0;
	s18 =	srdreg.scid;
	s7 =	stileid.u32  }
0x7: {  	s16 =	simm.s32 $0x28;
	s29 =	simm.s32 $0x18900;
	s30 =	simm.s32 $0x19300  }
0x8: {  	s28 =	simm.s32 $0x19800;
	[smem:$0x7FF] =	sst s6;
	s0 =	sadd.s32 $0x3A00, s4  }
0x9: {  	s17 =	sadd.s32 $0x2000, s4;
	_ =	strace $0x80000047;
	[dreg:$0x6] =	wrdreg s0  }
0xa: {  	s3 =	sadd.s32 $0x600, s4;
	s19 =	sshll.u32 s7, $0x1;
	[dreg:$0x7] =	wrdreg s17  }
0xb: {  	s5 =	sadd.s32 $0x400, s4;
	s20 =	sadd.s32 $0x200, s4;
	[dreg:$0x8] =	wrdreg s3  }
0xc: {  	s21 =	sadd.s32 $0x5400, s4;
	s15 =	sadd.s32 $0x5600, s4;
	[dreg:$0x9] =	wrdreg s5  }
0xd: {  	p0 =	slt.u32 s7, $0x2;
	s0 =	sand.u32 $0x1, s18;
	[dreg:$0xa] =	wrdreg s20  }
0xe: {  	s7 =	simm.s32 $0x1;
	[dreg:$0xb] =	wrdreg s21;
	s13 =	sor.u32 s0, s19  }
0xf: {  	s16 =	simm.s32 @!p0 $0x27;
	s0 =	ssub.s32 $0x2, s0;
	s25 =	smul.u32 $0xA0, s13  }
0x10: {  	s3 =	simm.s32 $0x2;
	s5 =	simm.s32 $0x0;
	s24 =	sshrl.u32 s0, $0x1  }
0x11: {  	s23 =	smul.u32 $0x140, s13;
	s0 =	ssub.s32 s0, s24;
	s26 =	sadd.s32 s15, s25  }
0x12: {  	s19 =	sor.u32 $0x40, s13;
	s0 =	smax.u32 s0, $0x1;
	[dreg:$0xe] =	wrdreg s26  }
0x13: {  	s24 =	simm.s32 $0x18700;
	s8 =	sadd.s32 s1, s23;
	[dreg:$0xf] =	wrdreg s0  }
0x14: {  	s20 =	sadd.s32 s2, s25;
	s23 =	simm.s32 $0xC380;
	[dreg:$0xc] =	wrdreg s8  }
0x15: {  	s25 =	simm.s32 $0x18780;
	s26 =	simm.s32 $0x18800;
	[dreg:$0xd] =	wrdreg s20  }
.LBB2_1:
0x16: {  	[dreg:$0x10] =	wrdreg s5  }
0x17: {  	s0 =	rddreg [dreg:$0x6];
	s11 =	simm.s32 $0x5  }
0x18: {  	[tilespmem:s6], [sflag:$0x5] =	stream.linear.gather [hbm4b:s0+s6], $0xC380, $0x38;
	[tilespmem:$0x1CF00] =	vst v63  }
0x19: {  	_ =	swait.ge [sflag:s11], $0xC380  }
0x1a: {  	[sflag:s11] =	ssyncset.done $0x0  }
0x1b: {  	s12 =	rddreg [dreg:$0x7];
	[sflag:s11] =	ssyncadd.s32 $0xFFFF3C80  }
0x1c: {  	[tilespmem:s23], [sflag:$0x5] =	stream.linear.gather [hbm4b:s12+s6], $0xC380, $0x38;
	[tilespmem:$0x1CF00] =	vst v63  }
0x1d: {  	_ =	swait.ge [sflag:s11], $0xC380  }
0x1e: {  	[sflag:s11] =	ssyncset.done $0x0  }
0x1f: {  	s14 =	rddreg [dreg:$0x9];
	[sflag:s11] =	ssyncadd.s32 $0xFFFF3C80  }
0x20: {  	[tilespmem:s24], [sflag:$0x5] =	stream.linear.gather [hbm4b:s14+s6], $0x80, $0x38;
	[tilespmem:$0x1CF00] =	vst v63  }
0x21: {  	_ =	swait.ge [sflag:s11], $0x80  }
0x22: {  	[sflag:s11] =	ssyncset.done $0x0  }
0x23: {  	s17 =	rddreg [dreg:$0xa];
	[sflag:s11] =	ssyncadd.s32 $0xFFFFFF80  }
0x24: {  	[tilespmem:s25], [sflag:$0x5] =	stream.linear.gather [hbm4b:s17+s6], $0x80, $0x38;
	[tilespmem:$0x1CF00] =	vst v63  }
0x25: {  	_ =	swait.ge [sflag:s11], $0x80  }
0x26: {  	[sflag:s11] =	ssyncset.done $0x0  }
0x27: {  	[sflag:s11] =	ssyncadd.s32 $0xFFFFFF80  }
0x28: {  	s4 =	rddreg [dreg:$0x2]  }
0x29: {  	[tilespmem:s26], [sflag:$0x5] =	stream.linear.gather [hbm4b:s4+s6], $0x80, $0x38;
	[tilespmem:$0x1CF00] =	vst v63  }
0x2a: {  	_ =	swait.ge [sflag:s11], $0x80  }
0x2b: {  	[sflag:s11] =	ssyncset.done $0x0  }
0x2c: {  	s21 =	simm.s32 $0x18880;
	s18 =	rddreg [dreg:$0xb];
	[sflag:s11] =	ssyncadd.s32 $0xFFFFFF80  }
0x2d: {  	[tilespmem:s21], [sflag:$0x5] =	stream.linear.gather [hbm4b:s18+s6], $0x80, $0x38;
	[tilespmem:$0x1CF00] =	vst v63  }
0x2e: {  	_ =	swait.ge [sflag:s11], $0x80  }
0x2f: {  	[sflag:s11] =	ssyncset.done $0x0  }
0x30: {  	[sflag:s11] =	ssyncadd.s32 $0xFFFFFF80  }
0x31: {  	v0 =	vld [tilespmem:$0x18880];
	[tilespmem:s29], [sflag:$0x1] =	stream.linear.gather [hbm4b:s8+s6], $0xA00, $0x38  }
0x32: {  	s17 =	simm.s32 $0x0  }
0x33: {  	[tilespmem:s30], [sflag:$0x1] =	stream.linear.gather [hbm4b:s20+s6], $0x500, $0x38;
	[tilespmem:$0x1CF00] =	vst v63  }
.LBB2_2:
0x34: {  	s10 =	sshll.u32 s17, $0x6  }
0x35: {  	s18 =	sor.u32 s10, s13  }
0x36: {  	s4 =	sor.u32 $0x20, s18  }
0x37: {  	p0 =	slt.s32 s4, $0x9C3  }
0x38: {  	s4 =	simm.s32 @!p0 $0x9C3  }
0x39: {  	s5 =	smul.u32 $0xA00, s4  }
0x3a: {  	s4 =	smul.u32 $0x500, s4  }
0x3b: {  	s5 =	sshrl.u32 s5, $0x3  }
0x3c: {  	s0 =	simm.s32 $0x19D00;
	s9 =	sshrl.u32 s4, $0x3;
	s5 =	sadd.s32 s1, s5  }
0x3d: {  	[tilespmem:s0], [sflag:$0x2] =	stream.linear.gather [hbm4b:s5+s6], $0xA00, $0x38;
	[tilespmem:$0x1CF00] =	vst v63  }
0x3e: {  	s12 =	simm.s32 $0x1A700;
	s4 =	sadd.s32 s2, s9  }
0x3f: {  	[tilespmem:s12], [sflag:$0x2] =	stream.linear.gather [hbm4b:s4+s6], $0x500, $0x38;
	[tilespmem:$0x1CF00] =	vst v63  }
0x40: {  	_ =	swait.ge [sflag:s7], $0xA00  }
0x41: {  	[sflag:s7] =	ssyncset.done $0x0  }
0x42: {  	[sflag:s7] =	ssyncadd.s32 $0xFFFFF600  }
0x43: {  	_ =	swait.ge [sflag:s7], $0x500  }
0x44: {  	p0 =	seq.s32 s17, $0x0;
	[sflag:s7] =	ssyncset.done $0x0  }
0x45: {  	s4 =	simm.s32 @!p0 $0x3;
	[sflag:s7] =	ssyncadd.s32 $0xFFFFFB00  }
0x46: {  	_ =	swait.ge @!p0 [sflag:s4], $0x500  }
0x47: {  	[sflag:s4] =	ssyncset.done @!p0 $0x0  }
0x48: {  	s14 =	simm.s32 $0x18980;
	[sflag:s4] =	ssyncadd.s32 @!p0 $0xFFFFFB00  }
0x49: {  	v1 =	vld [tilespmem:s14+$0x70]  }
0x4a: {  	v2 =	vld [tilespmem:s14+$0xFFFFFFF0]  }
0x4b: {  	v3 =	vld [tilespmem:s14+$0x0]  }
0x4c: {  	s21 =	simm.s32 $0x19340;
	v4 =	vld [tilespmem:s14+$0xFFFFFF90]  }
0x4d: {  	v5 =	vld [tilespmem:s21+$0x30]  }
0x4e: {  	v6 =	vld [tilespmem:s14+$0x10]  }
0x4f: {  	v7 =	vld [tilespmem:s14+$0xFFFFFFA0]  }
0x50: {  	v8 =	vld [tilespmem:s14+$0x20]  }
0x51: {  	v12 =	vld [tilespmem:s14+$0xFFFFFFB0]  }
0x52: {  	v13 =	vld [tilespmem:s14+$0x30]  }
0x53: {  	v14 =	vld [tilespmem:s14+$0xFFFFFFC0]  }
0x54: {  	v15 =	vld [tilespmem:s14+$0x40]  }
0x55: {  	v16 =	vld [tilespmem:s14+$0xFFFFFFD0]  }
0x56: {  	v17 =	vld [tilespmem:s14+$0x50]  }
0x57: {  	v18 =	vld [tilespmem:s14+$0xFFFFFFE0]  }
0x58: {  	v19 =	vld [tilespmem:s14+$0x60]  }
0x59: {  	v20 =	vld [tilespmem:s14+$0xFFFFFF80]  }
0x5a: {  	v21 =	vld [tilespmem:s21+$0xFFFFFFC0]  }
0x5b: {  	v22 =	vld [tilespmem:s21+$0xFFFFFFD0]  }
0x5c: {  	v23 =	vld [tilespmem:s21+$0xFFFFFFE0]  }
0x5d: {  	v24 =	vld [tilespmem:s21+$0xFFFFFFF0]  }
0x5e: {  	v25 =	vld [tilespmem:s21+$0x0]  }
0x5f: {  	v26 =	vld [tilespmem:s21+$0x10]  }
0x60: {  	v27 =	vld [tilespmem:s21+$0x20]  }
0x61: {  	v9 =	vld.idx.msk [tilespmem:v1+s6+$0x0], $0xffff  }
0x62: {  	v10 =	vld.idx.msk [tilespmem:v2+s6+$0x0], $0xffff  }
0x63: {  	v1 =	vld.idx.msk [tilespmem:v1+s23+$0x0], $0xffff  }
0x64: {  	v2 =	vld.idx.msk [tilespmem:v2+s23+$0x0], $0xffff  }
0x65: {  	v11 =	vld.idx.msk [tilespmem:v5+s24+$0x0], $0xffff  }
0x66: {  	v5 =	vld.idx.msk [tilespmem:v5+s25+$0x0], $0xffff  }
0x67: {  	v28 =	vld.idx.msk [tilespmem:v3+s6+$0x0], $0xffff  }
0x68: {  	v29 =	vld.idx.msk [tilespmem:v20+s6+$0x0], $0xffff  }
0x69: {  	v3 =	vld.idx.msk [tilespmem:v3+s23+$0x0], $0xffff  }
0x6a: {  	v20 =	vld.idx.msk [tilespmem:v20+s23+$0x0], $0xffff  }
0x6b: {  	v30 =	vld.idx.msk [tilespmem:v6+s6+$0x0], $0xffff  }
0x6c: {  	v31 =	vld.idx.msk [tilespmem:v4+s6+$0x0], $0xffff  }
0x6d: {  	v6 =	vld.idx.msk [tilespmem:v6+s23+$0x0], $0xffff  }
0x6e: {  	v4 =	vld.idx.msk [tilespmem:v4+s23+$0x0], $0xffff  }
0x6f: {  	v32 =	vld.idx.msk [tilespmem:v8+s6+$0x0], $0xffff  }
0x70: {  	v33 =	vld.idx.msk [tilespmem:v7+s6+$0x0], $0xffff  }
0x71: {  	v8 =	vld.idx.msk [tilespmem:v8+s23+$0x0], $0xffff  }
0x72: {  	v7 =	vld.idx.msk [tilespmem:v7+s23+$0x0], $0xffff  }
0x73: {  	v34 =	vld.idx.msk [tilespmem:v13+s6+$0x0], $0xffff  }
0x74: {  	v35 =	vld.idx.msk [tilespmem:v12+s6+$0x0], $0xffff  }
0x75: {  	v13 =	vld.idx.msk [tilespmem:v13+s23+$0x0], $0xffff  }
0x76: {  	v12 =	vld.idx.msk [tilespmem:v12+s23+$0x0], $0xffff  }
0x77: {  	v36 =	vld.idx.msk [tilespmem:v15+s6+$0x0], $0xffff  }
0x78: {  	v37 =	vld.idx.msk [tilespmem:v14+s6+$0x0], $0xffff  }
0x79: {  	v15 =	vld.idx.msk [tilespmem:v15+s23+$0x0], $0xffff  }
0x7a: {  	v14 =	vld.idx.msk [tilespmem:v14+s23+$0x0], $0xffff  }
0x7b: {  	v38 =	vld.idx.msk [tilespmem:v17+s6+$0x0], $0xffff  }
0x7c: {  	v39 =	vld.idx.msk [tilespmem:v16+s6+$0x0], $0xffff  }
0x7d: {  	v58 =	vld.idx.msk [tilespmem:v22+s24+$0x0], $0xffff  }
0x7e: {  	v1 =	vsub.f32 v1, v2;
	v2 =	vld.idx.msk [tilespmem:v17+s23+$0x0], $0xffff  }
0x7f: {  	v9 =	vsub.f32 v9, v10;
	v10 =	vld.idx.msk [tilespmem:v16+s23+$0x0], $0xffff  }
0x80: {  	v16 =	vld.idx.msk [tilespmem:v18+s6+$0x0], $0xffff  }
0x81: {  	v17 =	vld.idx.msk [tilespmem:v18+s23+$0x0], $0xffff  }
0x82: {  	v59 =	vsub.f32 v8, v7;
	v7 =	vld.idx.msk [tilespmem:v22+s25+$0x0], $0xffff;
	v9 =	vadd.f32 v11, v9  }
0x83: {  	v28 =	vsub.f32 v28, v29;
	v11 =	vld.idx.msk [tilespmem:v19+s6+$0x0], $0xffff  }
0x84: {  	v20 =	vsub.f32 v3, v20;
	v1 =	vadd.f32 v5, v1;
	v5 =	vmul.f32 v9, v9;
	v9 =	vld.idx.msk [tilespmem:v19+s23+$0x0], $0xffff  }
0x85: {  	v56 =	vsub.f32 v30, v31;
	v57 =	vsub.f32 v6, v4;
	v19 =	vld.idx.msk [tilespmem:v21+s24+$0x0], $0xffff  }
0x86: {  	v32 =	vsub.f32 v32, v33;
	v60 =	vsub.f32 v34, v35;
	v21 =	vld.idx.msk [tilespmem:v21+s25+$0x0], $0xffff  }
0x87: {  	v12 =	vsub.f32 v13, v12;
	v13 =	vld.idx.msk [tilespmem:v23+s24+$0x0], $0xffff;
	v3 =	vsub.f32 v15, v14;
	v1 =	vmul.f32 v1, v1  }
0x88: {  	v15 =	vadd.f32 v58, v56;
	v4 =	vsub.f32 v2, v10;
	v10 =	vld.idx.msk [tilespmem:v24+s24+$0x0], $0xffff  }
0x89: {  	v14 =	vld.idx.msk [tilespmem:v23+s25+$0x0], $0xffff;
	v18 =	vadd.f32 v1, v5;
	v2 =	vsub.f32 v11, v16  }
0x8a: {  	v61 =	vld.idx.msk [tilespmem:v24+s25+$0x0], $0xffff;
	v16 =	vadd.f32 v7, v57;
	v1 =	vsub.f32 v9, v17  }
0x8b: {  	s11 =	simm.s32 $0x19840;
	v8 =	vld.idx.msk [tilespmem:v25+s24+$0x0], $0xffff;
	v9 =	vadd.f32 v19, v28;
	v11 =	vadd.f32 v21, v20  }
0x8c: {  	v7 =	vld.idx.msk [tilespmem:v25+s25+$0x0], $0xffff;
	[tilespmem:s11+$0x30] =	vst v18;
	v19 =	vadd.f32 v13, v32;
	v62 =	vmul.f32 v16, v16  }
0x8d: {  	v16 =	vadd.f32 v10, v60;
	v10 =	vld.idx.msk [tilespmem:v27+s24+$0x0], $0xffff;
	v17 =	vmul.f32 v9, v9;
	v18 =	vmul.f32 v11, v11  }
0x8e: {  	v6 =	vsub.f32 v36, v37;
	v63 =	vadd.f32 v14, v59;
	v20 =	vmul.f32 v15, v15;
	v9 =	vld.idx.msk [tilespmem:v26+s24+$0x0], $0xffff  }
0x8f: {  	v5 =	vsub.f32 v38, v39;
	v11 =	vld.idx.msk [tilespmem:v26+s25+$0x0], $0xffff;
	v15 =	vmul.f32 v19, v19;
	v13 =	vadd.f32 v18, v17  }
0x90: {  	s12 =	simm.s32 $0x0;
	s14 =	simm.s32 $0x18A80;
	v14 =	vadd.f32 v62, v20;
	v17 =	vmul.f32 v63, v63;
	v18 =	vadd.f32 v61, v12;
	v12 =	vld.idx.msk [tilespmem:v27+s25+$0x0], $0xffff  }
.LBB2_3:
0x91: {  	v19 =	vld [tilespmem:s14+$0x70];
	[tilespmem:s11+$0xFFFFFFC0] =	vst v13;
	v13 =	vmul.f32 v16, v16;
	v6 =	vadd.f32 v8, v6  }
0x92: {  	v3 =	vadd.f32 v7, v3;
	v8 =	vld [tilespmem:s14+$0xFFFFFFF0];
	[tilespmem:s11+$0xFFFFFFD0] =	vst v14;
	v14 =	vadd.f32 v17, v15;
	v15 =	vmul.f32 v18, v18  }
0x93: {  	v5 =	vadd.f32 v9, v5;
	v7 =	vld [tilespmem:s14+$0x0];
	v6 =	vmul.f32 v6, v6  }
0x94: {  	s12 =	sadd.s32 $0x80, s12;
	s21 =	sadd.s32 $0x80, s21;
	v3 =	vmul.f32 v3, v3;
	v4 =	vadd.f32 v11, v4;
	v9 =	vld [tilespmem:s14+$0xFFFFFF90];
	[tilespmem:s11+$0xFFFFFFE0] =	vst v14;
	v13 =	vadd.f32 v15, v13  }
0x95: {  	p1 =	slt.u32 s12, $0x480;
	v5 =	vmul.f32 v5, v5;
	v2 =	vadd.f32 v10, v2;
	v11 =	vld [tilespmem:s21+$0x30]  }
0x96: {  	v3 =	vadd.f32 v3, v6;
	v4 =	vmul.f32 v4, v4;
	v1 =	vadd.f32 v12, v1;
	v10 =	vld [tilespmem:s14+$0x10];
	[tilespmem:s11+$0xFFFFFFF0] =	vst v13  }
0x97: {  	v2 =	vmul.f32 v2, v2;
	v6 =	vld [tilespmem:s14+$0xFFFFFFA0]  }
0x98: {  	v1 =	vmul.f32 v1, v1;
	v12 =	vld [tilespmem:s14+$0x20];
	[tilespmem:s11+$0x0] =	vst v3;
	v3 =	vadd.f32 v4, v5  }
0x99: {  	v4 =	vld.idx.msk [tilespmem:v19+s6+$0x0], $0xffff  }
0x9a: {  	v1 =	vadd.f32 v1, v2;
	v5 =	vld.idx.msk [tilespmem:v8+s6+$0x0], $0xffff;
	[tilespmem:s11+$0x10] =	vst v3  }
0x9b: {  	v2 =	vld.idx.msk [tilespmem:v19+s23+$0x0], $0xffff  }
0x9c: {  	v3 =	vld.idx.msk [tilespmem:v8+s23+$0x0], $0xffff;
	[tilespmem:s11+$0x20] =	vst v1  }
0x9d: {  	v1 =	vld.idx.msk [tilespmem:v11+s24+$0x0], $0xffff  }
0x9e: {  	v8 =	vld.idx.msk [tilespmem:v11+s25+$0x0], $0xffff  }
0x9f: {  	v11 =	vld [tilespmem:s14+$0xFFFFFFB0]  }
0xa0: {  	v13 =	vld [tilespmem:s14+$0x30]  }
0xa1: {  	v14 =	vld [tilespmem:s14+$0xFFFFFFC0]  }
0xa2: {  	v4 =	vsub.f32 v4, v5;
	v2 =	vsub.f32 v2, v3;
	v15 =	vld [tilespmem:s14+$0x40]  }
0xa3: {  	v3 =	vld [tilespmem:s14+$0xFFFFFFD0]  }
0xa4: {  	v1 =	vadd.f32 v1, v4;
	v2 =	vadd.f32 v8, v2;
	v5 =	vld [tilespmem:s14+$0x50]  }
0xa5: {  	v4 =	vld [tilespmem:s14+$0xFFFFFFE0]  }
0xa6: {  	v1 =	vmul.f32 v1, v1;
	v2 =	vmul.f32 v2, v2;
	v8 =	vld [tilespmem:s14+$0x60]  }
0xa7: {  	v16 =	vld [tilespmem:s14+$0xFFFFFF80]  }
0xa8: {  	v1 =	vadd.f32 v2, v1;
	v17 =	vld [tilespmem:s21+$0xFFFFFFC0]  }
0xa9: {  	s11 =	sadd.s32 $0x80, s11;
	v2 =	vld [tilespmem:s21+$0xFFFFFFD0]  }
0xaa: {  	v18 =	vld [tilespmem:s21+$0xFFFFFFE0];
	[tilespmem:s11+$0x30] =	vst v1  }
0xab: {  	v19 =	vld [tilespmem:s21+$0xFFFFFFF0]  }
0xac: {  	v20 =	vld [tilespmem:s21+$0x0]  }
0xad: {  	v21 =	vld [tilespmem:s21+$0x10]  }
0xae: {  	v22 =	vld [tilespmem:s21+$0x20]  }
0xaf: {  	v1 =	vld.idx.msk [tilespmem:v7+s6+$0x0], $0xffff  }
0xb0: {  	v23 =	vld.idx.msk [tilespmem:v16+s6+$0x0], $0xffff  }
0xb1: {  	v7 =	vld.idx.msk [tilespmem:v7+s23+$0x0], $0xffff  }
0xb2: {  	v16 =	vld.idx.msk [tilespmem:v16+s23+$0x0], $0xffff  }
0xb3: {  	v24 =	vld.idx.msk [tilespmem:v10+s6+$0x0], $0xffff  }
0xb4: {  	v25 =	vld.idx.msk [tilespmem:v9+s6+$0x0], $0xffff  }
0xb5: {  	v10 =	vld.idx.msk [tilespmem:v10+s23+$0x0], $0xffff  }
0xb6: {  	v23 =	vsub.f32 v1, v23;
	v1 =	vld.idx.msk [tilespmem:v9+s23+$0x0], $0xffff  }
0xb7: {  	v9 =	vld.idx.msk [tilespmem:v12+s6+$0x0], $0xffff  }
0xb8: {  	v7 =	vsub.f32 v7, v16;
	v16 =	vld.idx.msk [tilespmem:v6+s6+$0x0], $0xffff  }
0xb9: {  	v12 =	vld.idx.msk [tilespmem:v12+s23+$0x0], $0xffff  }
0xba: {  	v24 =	vsub.f32 v24, v25;
	v6 =	vld.idx.msk [tilespmem:v6+s23+$0x0], $0xffff  }
0xbb: {  	v25 =	vld.idx.msk [tilespmem:v13+s6+$0x0], $0xffff  }
0xbc: {  	v10 =	vsub.f32 v10, v1;
	v1 =	vld.idx.msk [tilespmem:v11+s6+$0x0], $0xffff  }
0xbd: {  	v13 =	vld.idx.msk [tilespmem:v13+s23+$0x0], $0xffff  }
0xbe: {  	v9 =	vsub.f32 v9, v16;
	v11 =	vld.idx.msk [tilespmem:v11+s23+$0x0], $0xffff  }
0xbf: {  	v16 =	vld.idx.msk [tilespmem:v15+s6+$0x0], $0xffff  }
0xc0: {  	v12 =	vsub.f32 v12, v6;
	v6 =	vld.idx.msk [tilespmem:v14+s6+$0x0], $0xffff  }
0xc1: {  	v15 =	vld.idx.msk [tilespmem:v15+s23+$0x0], $0xffff  }
0xc2: {  	v25 =	vsub.f32 v25, v1;
	v1 =	vld.idx.msk [tilespmem:v14+s23+$0x0], $0xffff  }
0xc3: {  	v14 =	vld.idx.msk [tilespmem:v5+s6+$0x0], $0xffff  }
0xc4: {  	v26 =	vsub.f32 v13, v11;
	v11 =	vld.idx.msk [tilespmem:v3+s6+$0x0], $0xffff  }
0xc5: {  	v13 =	vld.idx.msk [tilespmem:v5+s23+$0x0], $0xffff  }
0xc6: {  	v6 =	vsub.f32 v16, v6;
	v16 =	vld.idx.msk [tilespmem:v3+s23+$0x0], $0xffff  }
0xc7: {  	v27 =	vld.idx.msk [tilespmem:v8+s6+$0x0], $0xffff  }
0xc8: {  	v3 =	vsub.f32 v15, v1;
	v1 =	vld.idx.msk [tilespmem:v4+s6+$0x0], $0xffff  }
0xc9: {  	v8 =	vld.idx.msk [tilespmem:v8+s23+$0x0], $0xffff  }
0xca: {  	v5 =	vsub.f32 v14, v11;
	v11 =	vld.idx.msk [tilespmem:v4+s23+$0x0], $0xffff  }
0xcb: {  	v14 =	vld.idx.msk [tilespmem:v17+s24+$0x0], $0xffff  }
0xcc: {  	v4 =	vsub.f32 v13, v16;
	v15 =	vld.idx.msk [tilespmem:v17+s25+$0x0], $0xffff  }
0xcd: {  	v13 =	vld.idx.msk [tilespmem:v2+s24+$0x0], $0xffff  }
0xce: {  	v16 =	vld.idx.msk [tilespmem:v2+s25+$0x0], $0xffff;
	v2 =	vsub.f32 v27, v1  }
0xcf: {  	v17 =	vld.idx.msk [tilespmem:v18+s24+$0x0], $0xffff  }
0xd0: {  	v1 =	vsub.f32 v8, v11;
	v18 =	vld.idx.msk [tilespmem:v18+s25+$0x0], $0xffff  }
0xd1: {  	v8 =	vadd.f32 v14, v23;
	v14 =	vld.idx.msk [tilespmem:v19+s24+$0x0], $0xffff  }
0xd2: {  	v7 =	vadd.f32 v15, v7;
	v19 =	vld.idx.msk [tilespmem:v19+s25+$0x0], $0xffff  }
0xd3: {  	v11 =	vmul.f32 v8, v8;
	v13 =	vadd.f32 v13, v24;
	v8 =	vld.idx.msk [tilespmem:v20+s24+$0x0], $0xffff  }
.Ltmp0:
0xd4: {  	v15 =	vmul.f32 v7, v7;
	v10 =	vadd.f32 v16, v10;
	v7 =	vld.idx.msk [tilespmem:v20+s25+$0x0], $0xffff;
	(pc) =	sbr.rel @p1 .LBB2_3-.Ltmp0, $4  }
0xd5: {  	v20 =	vmul.f32 v13, v13;
	v16 =	vadd.f32 v17, v9;
	v9 =	vld.idx.msk [tilespmem:v21+s24+$0x0], $0xffff  }
0xd6: {  	v13 =	vadd.f32 v15, v11;
	v17 =	vmul.f32 v10, v10;
	v12 =	vadd.f32 v18, v12;
	v11 =	vld.idx.msk [tilespmem:v21+s25+$0x0], $0xffff  }
0xd7: {  	v15 =	vmul.f32 v16, v16;
	v16 =	vadd.f32 v14, v25;
	v10 =	vld.idx.msk [tilespmem:v22+s24+$0x0], $0xffff  }
0xd8: {  	s14 =	sadd.s32 $0x100, s14;
	v14 =	vadd.f32 v17, v20;
	v17 =	vmul.f32 v12, v12;
	v18 =	vadd.f32 v19, v26;
	v12 =	vld.idx.msk [tilespmem:v22+s25+$0x0], $0xffff  }
0xd9: {  	_ = 	snop  }
0xda: {  	v16 =	vmul.f32 v16, v16;
	v6 =	vadd.f32 v8, v6  }
0xdb: {  	v3 =	vadd.f32 v7, v3;
	v8 =	vadd.f32 v17, v15;
	v15 =	vmul.f32 v18, v18  }
0xdc: {  	v5 =	vadd.f32 v9, v5;
	v6 =	vmul.f32 v6, v6;
	v4 =	vadd.f32 v11, v4  }
0xdd: {  	[tilespmem:s11+$0xFFFFFFC0] =	vst v13;
	v3 =	vmul.f32 v3, v3;
	v2 =	vadd.f32 v10, v2;
	v1 =	vadd.f32 v12, v1  }
0xde: {  	p1 =	slt.s32 s18, $0x9C3;
	s5 =	sadd.s32 s19, s10;
	[tilespmem:s11+$0xFFFFFFD0] =	vst v14;
	v7 =	vadd.f32 v15, v16;
	v5 =	vmul.f32 v5, v5;
	v4 =	vmul.f32 v4, v4  }
0xdf: {  	s18 =	simm.s32 @!p1 $0x9C3;
	p1 =	slt.s32 s5, $0x9C3;
	[tilespmem:s11+$0xFFFFFFE0] =	vst v8;
	v3 =	vadd.f32 v3, v6;
	v2 =	vmul.f32 v2, v2;
	v1 =	vmul.f32 v1, v1  }
0xe0: {  	s4 =	smul.u32 $0x500, s18;
	s5 =	simm.s32 @!p1 $0x9C3;
	[tilespmem:s11+$0xFFFFFFF0] =	vst v7;
	v4 =	vadd.f32 v4, v5  }
0xe1: {  	s12 =	smul.u32 $0xA00, s5;
	[tilespmem:s11+$0x0] =	vst v3;
	v1 =	vadd.f32 v1, v2  }
0xe2: {  	s4 =	sshrl.u32 s4, $0x3;
	[tilespmem:s11+$0x10] =	vst v4  }
0xe3: {  	s5 =	smul.u32 $0x500, s5;
	s4 =	sadd.s32 s15, s4;
	s14 =	sshrl.u32 s12, $0x3;
	[tilespmem:s11+$0x20] =	vst v1  }
0xe4: {  	[hbm4b:s4+s6] =	stream.linear.scatter [tilespmem:s28], [sflag:$0x3], $0x500, $0x38;
	[tilespmem:$0x1CF00] =	vst v63  }
0xe5: {  	s18 =	sshrl.u32 s5, $0x3;
	s4 =	sadd.s32 s1, s14  }
0xe6: {  	[tilespmem:s29], [sflag:$0x1] =	stream.linear.gather [hbm4b:s4+s6], $0xA00, $0x38;
	[tilespmem:$0x1CF00] =	vst v63  }
0xe7: {  	s4 =	sadd.s32 s2, s18  }
0xe8: {  	[tilespmem:s30], [sflag:$0x1] =	stream.linear.gather [hbm4b:s4+s6], $0x500, $0x38;
	[tilespmem:$0x1CF00] =	vst v63  }
0xe9: {  	_ =	swait.ge [sflag:s3], $0xA00  }
0xea: {  	[sflag:s3] =	ssyncset.done $0x0  }
0xeb: {  	[sflag:s3] =	ssyncadd.s32 $0xFFFFF600  }
0xec: {  	_ =	swait.ge [sflag:s3], $0x500  }
0xed: {  	[sflag:s3] =	ssyncset.done $0x0  }
0xee: {  	s4 =	simm.s32 @!p0 $0x4;
	[sflag:s3] =	ssyncadd.s32 $0xFFFFFB00  }
0xef: {  	_ =	swait.ge @!p0 [sflag:s4], $0x500  }
0xf0: {  	[sflag:s4] =	ssyncset.done @!p0 $0x0  }
0xf1: {  	s21 =	simm.s32 $0x19D80;
	[sflag:s4] =	ssyncadd.s32 @!p0 $0xFFFFFB00  }
0xf2: {  	v1 =	vld [tilespmem:s21+$0x70]  }
0xf3: {  	v2 =	vld [tilespmem:s21+$0xFFFFFFF0]  }
0xf4: {  	v3 =	vld [tilespmem:s21+$0x0]  }
0xf5: {  	s10 =	simm.s32 $0x1A740;
	v4 =	vld [tilespmem:s21+$0xFFFFFF90]  }
0xf6: {  	v5 =	vld [tilespmem:s10+$0x30]  }
0xf7: {  	v6 =	vld [tilespmem:s21+$0x10]  }
0xf8: {  	v7 =	vld [tilespmem:s21+$0xFFFFFFA0]  }
0xf9: {  	v8 =	vld [tilespmem:s21+$0x20]  }
0xfa: {  	v12 =	vld [tilespmem:s21+$0xFFFFFFB0]  }
0xfb: {  	v13 =	vld [tilespmem:s21+$0x30]  }
0xfc: {  	v14 =	vld [tilespmem:s21+$0xFFFFFFC0]  }
0xfd: {  	v15 =	vld [tilespmem:s21+$0x40]  }
0xfe: {  	v16 =	vld [tilespmem:s21+$0xFFFFFFD0]  }
0xff: {  	v17 =	vld [tilespmem:s21+$0x50]  }
0x100: {  	v18 =	vld [tilespmem:s21+$0xFFFFFFE0]  }
0x101: {  	v19 =	vld [tilespmem:s21+$0x60]  }
0x102: {  	v20 =	vld [tilespmem:s21+$0xFFFFFF80]  }
0x103: {  	v21 =	vld [tilespmem:s10+$0xFFFFFFC0]  }
0x104: {  	v22 =	vld [tilespmem:s10+$0xFFFFFFD0]  }
0x105: {  	v23 =	vld [tilespmem:s10+$0xFFFFFFE0]  }
0x106: {  	v24 =	vld [tilespmem:s10+$0xFFFFFFF0]  }
0x107: {  	v25 =	vld [tilespmem:s10+$0x0]  }
0x108: {  	v26 =	vld [tilespmem:s10+$0x10]  }
0x109: {  	v27 =	vld [tilespmem:s10+$0x20]  }
0x10a: {  	v9 =	vld.idx.msk [tilespmem:v1+s6+$0x0], $0xffff  }
0x10b: {  	v10 =	vld.idx.msk [tilespmem:v2+s6+$0x0], $0xffff  }
0x10c: {  	v1 =	vld.idx.msk [tilespmem:v1+s23+$0x0], $0xffff  }
0x10d: {  	v2 =	vld.idx.msk [tilespmem:v2+s23+$0x0], $0xffff  }
0x10e: {  	v11 =	vld.idx.msk [tilespmem:v5+s24+$0x0], $0xffff  }
0x10f: {  	v5 =	vld.idx.msk [tilespmem:v5+s25+$0x0], $0xffff  }
0x110: {  	v28 =	vld.idx.msk [tilespmem:v3+s6+$0x0], $0xffff  }
0x111: {  	v29 =	vld.idx.msk [tilespmem:v20+s6+$0x0], $0xffff  }
0x112: {  	v3 =	vld.idx.msk [tilespmem:v3+s23+$0x0], $0xffff  }
0x113: {  	v20 =	vld.idx.msk [tilespmem:v20+s23+$0x0], $0xffff  }
0x114: {  	v30 =	vld.idx.msk [tilespmem:v6+s6+$0x0], $0xffff  }
0x115: {  	v31 =	vld.idx.msk [tilespmem:v4+s6+$0x0], $0xffff  }
0x116: {  	v6 =	vld.idx.msk [tilespmem:v6+s23+$0x0], $0xffff  }
0x117: {  	v4 =	vld.idx.msk [tilespmem:v4+s23+$0x0], $0xffff  }
0x118: {  	v32 =	vld.idx.msk [tilespmem:v8+s6+$0x0], $0xffff  }
0x119: {  	v33 =	vld.idx.msk [tilespmem:v7+s6+$0x0], $0xffff  }
0x11a: {  	v8 =	vld.idx.msk [tilespmem:v8+s23+$0x0], $0xffff  }
0x11b: {  	v7 =	vld.idx.msk [tilespmem:v7+s23+$0x0], $0xffff  }
0x11c: {  	v34 =	vld.idx.msk [tilespmem:v13+s6+$0x0], $0xffff  }
0x11d: {  	v35 =	vld.idx.msk [tilespmem:v12+s6+$0x0], $0xffff  }
0x11e: {  	v13 =	vld.idx.msk [tilespmem:v13+s23+$0x0], $0xffff  }
0x11f: {  	v12 =	vld.idx.msk [tilespmem:v12+s23+$0x0], $0xffff  }
0x120: {  	v36 =	vld.idx.msk [tilespmem:v15+s6+$0x0], $0xffff  }
0x121: {  	v37 =	vld.idx.msk [tilespmem:v14+s6+$0x0], $0xffff  }
0x122: {  	v15 =	vld.idx.msk [tilespmem:v15+s23+$0x0], $0xffff  }
0x123: {  	v14 =	vld.idx.msk [tilespmem:v14+s23+$0x0], $0xffff  }
0x124: {  	v38 =	vld.idx.msk [tilespmem:v17+s6+$0x0], $0xffff  }
0x125: {  	v39 =	vld.idx.msk [tilespmem:v16+s6+$0x0], $0xffff  }
0x126: {  	v58 =	vld.idx.msk [tilespmem:v22+s24+$0x0], $0xffff  }
0x127: {  	v1 =	vsub.f32 v1, v2;
	v2 =	vld.idx.msk [tilespmem:v17+s23+$0x0], $0xffff  }
0x128: {  	v9 =	vsub.f32 v9, v10;
	v10 =	vld.idx.msk [tilespmem:v16+s23+$0x0], $0xffff  }
0x129: {  	v16 =	vld.idx.msk [tilespmem:v18+s6+$0x0], $0xffff  }
0x12a: {  	v17 =	vld.idx.msk [tilespmem:v18+s23+$0x0], $0xffff  }
0x12b: {  	v59 =	vsub.f32 v8, v7;
	v7 =	vld.idx.msk [tilespmem:v22+s25+$0x0], $0xffff;
	v9 =	vadd.f32 v11, v9  }
0x12c: {  	v28 =	vsub.f32 v28, v29;
	v11 =	vld.idx.msk [tilespmem:v19+s6+$0x0], $0xffff  }
0x12d: {  	v20 =	vsub.f32 v3, v20;
	v1 =	vadd.f32 v5, v1;
	v5 =	vmul.f32 v9, v9;
	v9 =	vld.idx.msk [tilespmem:v19+s23+$0x0], $0xffff  }
0x12e: {  	v56 =	vsub.f32 v30, v31;
	v57 =	vsub.f32 v6, v4;
	v19 =	vld.idx.msk [tilespmem:v21+s24+$0x0], $0xffff  }
0x12f: {  	v32 =	vsub.f32 v32, v33;
	v60 =	vsub.f32 v34, v35;
	v21 =	vld.idx.msk [tilespmem:v21+s25+$0x0], $0xffff  }
0x130: {  	v12 =	vsub.f32 v13, v12;
	v13 =	vld.idx.msk [tilespmem:v23+s24+$0x0], $0xffff;
	v3 =	vsub.f32 v15, v14;
	v1 =	vmul.f32 v1, v1  }
0x131: {  	v15 =	vadd.f32 v58, v56;
	v4 =	vsub.f32 v2, v10;
	v10 =	vld.idx.msk [tilespmem:v24+s24+$0x0], $0xffff  }
0x132: {  	v14 =	vld.idx.msk [tilespmem:v23+s25+$0x0], $0xffff;
	v18 =	vadd.f32 v1, v5;
	v2 =	vsub.f32 v11, v16  }
0x133: {  	v61 =	vld.idx.msk [tilespmem:v24+s25+$0x0], $0xffff;
	v16 =	vadd.f32 v7, v57;
	v1 =	vsub.f32 v9, v17  }
0x134: {  	s11 =	simm.s32 $0x1AC40;
	v8 =	vld.idx.msk [tilespmem:v25+s24+$0x0], $0xffff;
	v9 =	vadd.f32 v19, v28;
	v11 =	vadd.f32 v21, v20  }
0x135: {  	v7 =	vld.idx.msk [tilespmem:v25+s25+$0x0], $0xffff;
	[tilespmem:s11+$0x30] =	vst v18;
	v19 =	vadd.f32 v13, v32;
	v62 =	vmul.f32 v16, v16  }
0x136: {  	v16 =	vadd.f32 v10, v60;
	v10 =	vld.idx.msk [tilespmem:v27+s24+$0x0], $0xffff;
	v17 =	vmul.f32 v9, v9;
	v18 =	vmul.f32 v11, v11  }
0x137: {  	v6 =	vsub.f32 v36, v37;
	v63 =	vadd.f32 v14, v59;
	v20 =	vmul.f32 v15, v15;
	v9 =	vld.idx.msk [tilespmem:v26+s24+$0x0], $0xffff  }
0x138: {  	v5 =	vsub.f32 v38, v39;
	v11 =	vld.idx.msk [tilespmem:v26+s25+$0x0], $0xffff;
	v15 =	vmul.f32 v19, v19;
	v13 =	vadd.f32 v18, v17  }
0x139: {  	s12 =	simm.s32 $0x0;
	s14 =	simm.s32 $0x19E80;
	v14 =	vadd.f32 v62, v20;
	v17 =	vmul.f32 v63, v63;
	v18 =	vadd.f32 v61, v12;
	v12 =	vld.idx.msk [tilespmem:v27+s25+$0x0], $0xffff  }
.LBB2_5:
0x13a: {  	v19 =	vld [tilespmem:s14+$0x70];
	[tilespmem:s11+$0xFFFFFFC0] =	vst v13;
	v13 =	vmul.f32 v16, v16;
	v6 =	vadd.f32 v8, v6  }
0x13b: {  	v3 =	vadd.f32 v7, v3;
	v8 =	vld [tilespmem:s14+$0xFFFFFFF0];
	[tilespmem:s11+$0xFFFFFFD0] =	vst v14;
	v14 =	vadd.f32 v17, v15;
	v15 =	vmul.f32 v18, v18  }
0x13c: {  	v5 =	vadd.f32 v9, v5;
	v7 =	vld [tilespmem:s14+$0x0];
	v6 =	vmul.f32 v6, v6  }
0x13d: {  	s12 =	sadd.s32 $0x80, s12;
	s10 =	sadd.s32 $0x80, s10;
	v3 =	vmul.f32 v3, v3;
	v4 =	vadd.f32 v11, v4;
	v9 =	vld [tilespmem:s14+$0xFFFFFF90];
	[tilespmem:s11+$0xFFFFFFE0] =	vst v14;
	v13 =	vadd.f32 v15, v13  }
0x13e: {  	p0 =	slt.u32 s12, $0x480;
	v5 =	vmul.f32 v5, v5;
	v2 =	vadd.f32 v10, v2;
	v11 =	vld [tilespmem:s10+$0x30]  }
0x13f: {  	v3 =	vadd.f32 v3, v6;
	v4 =	vmul.f32 v4, v4;
	v1 =	vadd.f32 v12, v1;
	v10 =	vld [tilespmem:s14+$0x10];
	[tilespmem:s11+$0xFFFFFFF0] =	vst v13  }
0x140: {  	v2 =	vmul.f32 v2, v2;
	v6 =	vld [tilespmem:s14+$0xFFFFFFA0]  }
0x141: {  	v1 =	vmul.f32 v1, v1;
	v12 =	vld [tilespmem:s14+$0x20];
	[tilespmem:s11+$0x0] =	vst v3;
	v3 =	vadd.f32 v4, v5  }
0x142: {  	v4 =	vld.idx.msk [tilespmem:v19+s6+$0x0], $0xffff  }
0x143: {  	v1 =	vadd.f32 v1, v2;
	v5 =	vld.idx.msk [tilespmem:v8+s6+$0x0], $0xffff;
	[tilespmem:s11+$0x10] =	vst v3  }
0x144: {  	v2 =	vld.idx.msk [tilespmem:v19+s23+$0x0], $0xffff  }
0x145: {  	v3 =	vld.idx.msk [tilespmem:v8+s23+$0x0], $0xffff;
	[tilespmem:s11+$0x20] =	vst v1  }
0x146: {  	v1 =	vld.idx.msk [tilespmem:v11+s24+$0x0], $0xffff  }
0x147: {  	v8 =	vld.idx.msk [tilespmem:v11+s25+$0x0], $0xffff  }
0x148: {  	v11 =	vld [tilespmem:s14+$0xFFFFFFB0]  }
0x149: {  	v13 =	vld [tilespmem:s14+$0x30]  }
0x14a: {  	v14 =	vld [tilespmem:s14+$0xFFFFFFC0]  }
0x14b: {  	v4 =	vsub.f32 v4, v5;
	v2 =	vsub.f32 v2, v3;
	v15 =	vld [tilespmem:s14+$0x40]  }
0x14c: {  	v3 =	vld [tilespmem:s14+$0xFFFFFFD0]  }
0x14d: {  	v1 =	vadd.f32 v1, v4;
	v2 =	vadd.f32 v8, v2;
	v5 =	vld [tilespmem:s14+$0x50]  }
0x14e: {  	v4 =	vld [tilespmem:s14+$0xFFFFFFE0]  }
0x14f: {  	v1 =	vmul.f32 v1, v1;
	v2 =	vmul.f32 v2, v2;
	v8 =	vld [tilespmem:s14+$0x60]  }
0x150: {  	v16 =	vld [tilespmem:s14+$0xFFFFFF80]  }
0x151: {  	v1 =	vadd.f32 v2, v1;
	v17 =	vld [tilespmem:s10+$0xFFFFFFC0]  }
0x152: {  	s11 =	sadd.s32 $0x80, s11;
	v2 =	vld [tilespmem:s10+$0xFFFFFFD0]  }
0x153: {  	v18 =	vld [tilespmem:s10+$0xFFFFFFE0];
	[tilespmem:s11+$0x30] =	vst v1  }
0x154: {  	v19 =	vld [tilespmem:s10+$0xFFFFFFF0]  }
0x155: {  	v20 =	vld [tilespmem:s10+$0x0]  }
0x156: {  	v21 =	vld [tilespmem:s10+$0x10]  }
0x157: {  	v22 =	vld [tilespmem:s10+$0x20]  }
0x158: {  	v1 =	vld.idx.msk [tilespmem:v7+s6+$0x0], $0xffff  }
0x159: {  	v23 =	vld.idx.msk [tilespmem:v16+s6+$0x0], $0xffff  }
0x15a: {  	v7 =	vld.idx.msk [tilespmem:v7+s23+$0x0], $0xffff  }
0x15b: {  	v16 =	vld.idx.msk [tilespmem:v16+s23+$0x0], $0xffff  }
0x15c: {  	v24 =	vld.idx.msk [tilespmem:v10+s6+$0x0], $0xffff  }
0x15d: {  	v25 =	vld.idx.msk [tilespmem:v9+s6+$0x0], $0xffff  }
0x15e: {  	v10 =	vld.idx.msk [tilespmem:v10+s23+$0x0], $0xffff  }
0x15f: {  	v23 =	vsub.f32 v1, v23;
	v1 =	vld.idx.msk [tilespmem:v9+s23+$0x0], $0xffff  }
0x160: {  	v9 =	vld.idx.msk [tilespmem:v12+s6+$0x0], $0xffff  }
0x161: {  	v7 =	vsub.f32 v7, v16;
	v16 =	vld.idx.msk [tilespmem:v6+s6+$0x0], $0xffff  }
0x162: {  	v12 =	vld.idx.msk [tilespmem:v12+s23+$0x0], $0xffff  }
0x163: {  	v24 =	vsub.f32 v24, v25;
	v6 =	vld.idx.msk [tilespmem:v6+s23+$0x0], $0xffff  }
0x164: {  	v25 =	vld.idx.msk [tilespmem:v13+s6+$0x0], $0xffff  }
0x165: {  	v10 =	vsub.f32 v10, v1;
	v1 =	vld.idx.msk [tilespmem:v11+s6+$0x0], $0xffff  }
0x166: {  	v13 =	vld.idx.msk [tilespmem:v13+s23+$0x0], $0xffff  }
0x167: {  	v9 =	vsub.f32 v9, v16;
	v11 =	vld.idx.msk [tilespmem:v11+s23+$0x0], $0xffff  }
0x168: {  	v16 =	vld.idx.msk [tilespmem:v15+s6+$0x0], $0xffff  }
0x169: {  	v12 =	vsub.f32 v12, v6;
	v6 =	vld.idx.msk [tilespmem:v14+s6+$0x0], $0xffff  }
0x16a: {  	v15 =	vld.idx.msk [tilespmem:v15+s23+$0x0], $0xffff  }
0x16b: {  	v25 =	vsub.f32 v25, v1;
	v1 =	vld.idx.msk [tilespmem:v14+s23+$0x0], $0xffff  }
0x16c: {  	v14 =	vld.idx.msk [tilespmem:v5+s6+$0x0], $0xffff  }
0x16d: {  	v26 =	vsub.f32 v13, v11;
	v11 =	vld.idx.msk [tilespmem:v3+s6+$0x0], $0xffff  }
0x16e: {  	v13 =	vld.idx.msk [tilespmem:v5+s23+$0x0], $0xffff  }
0x16f: {  	v6 =	vsub.f32 v16, v6;
	v16 =	vld.idx.msk [tilespmem:v3+s23+$0x0], $0xffff  }
0x170: {  	v27 =	vld.idx.msk [tilespmem:v8+s6+$0x0], $0xffff  }
0x171: {  	v3 =	vsub.f32 v15, v1;
	v1 =	vld.idx.msk [tilespmem:v4+s6+$0x0], $0xffff  }
0x172: {  	v8 =	vld.idx.msk [tilespmem:v8+s23+$0x0], $0xffff  }
0x173: {  	v5 =	vsub.f32 v14, v11;
	v11 =	vld.idx.msk [tilespmem:v4+s23+$0x0], $0xffff  }
0x174: {  	v14 =	vld.idx.msk [tilespmem:v17+s24+$0x0], $0xffff  }
0x175: {  	v4 =	vsub.f32 v13, v16;
	v15 =	vld.idx.msk [tilespmem:v17+s25+$0x0], $0xffff  }
0x176: {  	v13 =	vld.idx.msk [tilespmem:v2+s24+$0x0], $0xffff  }
0x177: {  	v16 =	vld.idx.msk [tilespmem:v2+s25+$0x0], $0xffff;
	v2 =	vsub.f32 v27, v1  }
0x178: {  	v17 =	vld.idx.msk [tilespmem:v18+s24+$0x0], $0xffff  }
0x179: {  	v1 =	vsub.f32 v8, v11;
	v18 =	vld.idx.msk [tilespmem:v18+s25+$0x0], $0xffff  }
0x17a: {  	v8 =	vadd.f32 v14, v23;
	v14 =	vld.idx.msk [tilespmem:v19+s24+$0x0], $0xffff  }
0x17b: {  	v7 =	vadd.f32 v15, v7;
	v19 =	vld.idx.msk [tilespmem:v19+s25+$0x0], $0xffff  }
0x17c: {  	v11 =	vmul.f32 v8, v8;
	v13 =	vadd.f32 v13, v24;
	v8 =	vld.idx.msk [tilespmem:v20+s24+$0x0], $0xffff  }
.Ltmp1:
0x17d: {  	v15 =	vmul.f32 v7, v7;
	v10 =	vadd.f32 v16, v10;
	v7 =	vld.idx.msk [tilespmem:v20+s25+$0x0], $0xffff;
	(pc) =	sbr.rel @p0 .LBB2_5-.Ltmp1, $4  }
0x17e: {  	v20 =	vmul.f32 v13, v13;
	v16 =	vadd.f32 v17, v9;
	v9 =	vld.idx.msk [tilespmem:v21+s24+$0x0], $0xffff  }
0x17f: {  	v13 =	vadd.f32 v15, v11;
	v17 =	vmul.f32 v10, v10;
	v12 =	vadd.f32 v18, v12;
	v11 =	vld.idx.msk [tilespmem:v21+s25+$0x0], $0xffff  }
0x180: {  	v15 =	vmul.f32 v16, v16;
	v16 =	vadd.f32 v14, v25;
	v10 =	vld.idx.msk [tilespmem:v22+s24+$0x0], $0xffff  }
0x181: {  	s14 =	sadd.s32 $0x100, s14;
	v14 =	vadd.f32 v17, v20;
	v17 =	vmul.f32 v12, v12;
	v18 =	vadd.f32 v19, v26;
	v12 =	vld.idx.msk [tilespmem:v22+s25+$0x0], $0xffff  }
0x182: {  	_ = 	snop  }
0x183: {  	v16 =	vmul.f32 v16, v16;
	v6 =	vadd.f32 v8, v6  }
0x184: {  	v3 =	vadd.f32 v7, v3;
	v61 =	vadd.f32 v17, v15;
	v62 =	vmul.f32 v18, v18  }
0x185: {  	v5 =	vadd.f32 v9, v5;
	v6 =	vmul.f32 v6, v6;
	v4 =	vadd.f32 v11, v4  }
0x186: {  	[tilespmem:s11+$0xFFFFFFC0] =	vst v13;
	v3 =	vmul.f32 v3, v3;
	v2 =	vadd.f32 v10, v2;
	v1 =	vadd.f32 v12, v1  }
0x187: {  	s17 =	sadd.s32 $0x1, s17;
	[tilespmem:s11+$0xFFFFFFD0] =	vst v14;
	v63 =	vadd.f32 v62, v16;
	v5 =	vmul.f32 v5, v5;
	v4 =	vmul.f32 v4, v4  }
0x188: {  	p0 =	sne.s32 s17, s16;
	[tilespmem:s11+$0xFFFFFFE0] =	vst v61;
	v3 =	vadd.f32 v3, v6;
	v2 =	vmul.f32 v2, v2;
	v1 =	vmul.f32 v1, v1  }
.Ltmp2:
0x189: {  	[tilespmem:s11+$0xFFFFFFF0] =	vst v63;
	v4 =	vadd.f32 v4, v5;
	(pc) =	sbr.rel @p0 .LBB2_2-.Ltmp2, $4  }
0x18a: {  	[tilespmem:s11+$0x0] =	vst v3;
	v1 =	vadd.f32 v1, v2  }
0x18b: {  	[tilespmem:s11+$0x10] =	vst v4  }
0x18c: {  	s4 =	sadd.s32 s15, s9;
	s0 =	simm.s32 $0x1AC00;
	[tilespmem:s11+$0x20] =	vst v1  }
0x18d: {  	[hbm4b:s4+s6] =	stream.linear.scatter [tilespmem:s0], [sflag:$0x4], $0x500, $0x38;
	[tilespmem:$0x1CF00] =	vst v63  }
0x18e: {  	_ =	swait.ge [sflag:s7], $0xA00  }
0x18f: {  	[sflag:s7] =	ssyncset.done $0x0  }
0x190: {  	[sflag:s7] =	ssyncadd.s32 $0xFFFFF600  }
0x191: {  	_ =	swait.ge [sflag:s7], $0x500  }
0x192: {  	[sflag:s7] =	ssyncset.done $0x0  }
0x193: {  	s0 =	simm.s32 $0x3;
	[sflag:s7] =	ssyncadd.s32 $0xFFFFFB00  }
0x194: {  	_ =	swait.ge [sflag:s0], $0x500  }
0x195: {  	[sflag:s0] =	ssyncset.done $0x0  }
0x196: {  	s12 =	simm.s32 $0x4;
	[sflag:s0] =	ssyncadd.s32 $0xFFFFFB00  }
0x197: {  	_ =	swait.ge [sflag:s12], $0x500  }
0x198: {  	s17 =	simm.s32 $0x0;
	[sflag:s12] =	ssyncset.done $0x0  }
0x199: {  	s18 =	simm.s32 $0x5;
	s14 =	rddreg [dreg:$0x8];
	[sflag:s12] =	ssyncadd.s32 $0xFFFFFB00  }
0x19a: {  	[tilespmem:s17], [sflag:$0x5] =	stream.linear.gather [hbm4b:s14+s17], $0xC380, $0x38;
	[tilespmem:$0x1CF00] =	vst v63  }
0x19b: {  	_ =	swait.ge [sflag:s18], $0xC380  }
0x19c: {  	[sflag:s18] =	ssyncset.done $0x0  }
0x19d: {  	[sflag:s18] =	ssyncadd.s32 $0xFFFF3C80  }
0x19e: {  	[tilespmem:s29], [sflag:$0x1] =	stream.linear.gather [hbm4b:s8+s17], $0xA00, $0x38;
	[tilespmem:$0x1CF00] =	vst v63  }
0x19f: {  	_ = 	snop  }
0x1a0: {  	[tilespmem:s30], [sflag:$0x1] =	stream.linear.gather [hbm4b:s20+s17], $0x500, $0x38;
	[tilespmem:$0x1CF00] =	vst v63  }
0x1a1: {  	s21 =	rddreg [dreg:$0xe]  }
0x1a2: {  	[tilespmem:s28], [sflag:$0x1] =	stream.linear.gather [hbm4b:s21+s17], $0x500, $0x38;
	[tilespmem:$0x1CF00] =	vst v63  }
.LBB2_8:
0x1a3: {  	s10 =	sshll.u32 s17, $0x6  }
0x1a4: {  	s21 =	sor.u32 s10, s13  }
0x1a5: {  	s4 =	sor.u32 $0x20, s21  }
0x1a6: {  	p0 =	slt.s32 s4, $0x9C3  }
0x1a7: {  	s4 =	simm.s32 @!p0 $0x9C3  }
0x1a8: {  	s5 =	smul.u32 $0xA00, s4;
	_ =	sdelay $0x1  }
0x1a9: {  	s18 =	sshrl.u32 s5, $0x3  }
0x1aa: {  	s9 =	simm.s32 $0x19D00;
	s4 =	smul.u32 $0x500, s4;
	s5 =	sadd.s32 s1, s18  }
0x1ab: {  	[tilespmem:s9], [sflag:$0x2] =	stream.linear.gather [hbm4b:s5+s6], $0xA00, $0x38;
	[tilespmem:$0x1CF00] =	vst v63  }
0x1ac: {  	s9 =	sshrl.u32 s4, $0x3  }
0x1ad: {  	s11 =	simm.s32 $0x1A700;
	s4 =	sadd.s32 s2, s9  }
0x1ae: {  	[tilespmem:s11], [sflag:$0x2] =	stream.linear.gather [hbm4b:s4+s6], $0x500, $0x38;
	[tilespmem:$0x1CF00] =	vst v63  }
0x1af: {  	s14 =	simm.s32 $0x1AC00;
	s12 =	sadd.s32 s15, s9  }
0x1b0: {  	[tilespmem:s14], [sflag:$0x2] =	stream.linear.gather [hbm4b:s12+s6], $0x500, $0x38;
	[tilespmem:$0x1CF00] =	vst v63  }
0x1b1: {  	_ =	swait.ge [sflag:s7], $0xA00  }
0x1b2: {  	[sflag:s7] =	ssyncset.done $0x0  }
0x1b3: {  	[sflag:s7] =	ssyncadd.s32 $0xFFFFF600  }
0x1b4: {  	_ =	swait.ge [sflag:s7], $0x500  }
0x1b5: {  	[sflag:s7] =	ssyncset.done $0x0  }
0x1b6: {  	[sflag:s7] =	ssyncadd.s32 $0xFFFFFB00  }
0x1b7: {  	_ =	swait.ge [sflag:s7], $0x500  }
0x1b8: {  	p0 =	seq.s32 s17, $0x0;
	[sflag:s7] =	ssyncset.done $0x0  }
0x1b9: {  	s4 =	simm.s32 @!p0 $0x3;
	[sflag:s7] =	ssyncadd.s32 $0xFFFFFB00  }
0x1ba: {  	_ =	swait.ge @!p0 [sflag:s4], $0x500  }
0x1bb: {  	[sflag:s4] =	ssyncset.done @!p0 $0x0  }
0x1bc: {  	[sflag:s4] =	ssyncadd.s32 @!p0 $0xFFFFFB00  }
0x1bd: {  	_ =	swait.ge @!p0 [sflag:s4], $0xA00  }
0x1be: {  	[sflag:s4] =	ssyncset.done @!p0 $0x0  }
0x1bf: {  	s20 =	simm.s32 $0x19340;
	[sflag:s4] =	ssyncadd.s32 @!p0 $0xFFFFF600  }
0x1c0: {  	s4 =	simm.s32 $0x19840;
	v13 =	vld [tilespmem:s20+$0xFFFFFFD0]  }
0x1c1: {  	s0 =	smov.u32 s22;
	s22 =	simm.s32 $0x18980;
	v14 =	vld [tilespmem:s4+$0xFFFFFFE0]  }
0x1c2: {  	v1 =	vld [tilespmem:s22+$0xFFFFFFB0]  }
0x1c3: {  	v15 =	vld [tilespmem:s4+$0xFFFFFFD0]  }
0x1c4: {  	v2 =	vld [tilespmem:s22+$0x30]  }
0x1c5: {  	v16 =	vld [tilespmem:s22+$0x40]  }
0x1c6: {  	v6 =	vld [tilespmem:s22+$0xFFFFFFD0]  }
0x1c7: {  	v4 =	vld [tilespmem:s22+$0x50]  }
0x1c8: {  	v12 =	vld [tilespmem:s20+$0x0]  }
0x1c9: {  	v17 =	vld [tilespmem:s22+$0xFFFFFF90]  }
0x1ca: {  	v10 =	vld [tilespmem:s20+$0xFFFFFFE0]  }
0x1cb: {  	v18 =	vld [tilespmem:s4+$0x0]  }
0x1cc: {  	v19 =	vld [tilespmem:s20+$0xFFFFFFF0]  }
0x1cd: {  	v21 =	vld [tilespmem:s20+$0x30]  }
0x1ce: {  	v22 =	vld [tilespmem:s22+$0x20]  }
0x1cf: {  	v7 =	vld [tilespmem:s22+$0x0]  }
0x1d0: {  	v24 =	vld [tilespmem:s20+$0x20]  }
0x1d1: {  	v8 =	vld [tilespmem:s22+$0xFFFFFFF0]  }
0x1d2: {  	v3 =	vld [tilespmem:s22+$0xFFFFFFE0]  }
0x1d3: {  	v25 =	vld [tilespmem:s22+$0x10]  }
0x1d4: {  	v20 =	vld [tilespmem:s20+$0xFFFFFFC0]  }
0x1d5: {  	v11 =	vld [tilespmem:s22+$0x70]  }
0x1d6: {  	v31 =	vld [tilespmem:s22+$0xFFFFFFA0]  }
0x1d7: {  	v26 =	vld [tilespmem:s22+$0xFFFFFFC0]  }
0x1d8: {  	v5 =	vld [tilespmem:s22+$0x60]  }
0x1d9: {  	v28 =	vld [tilespmem:s20+$0x10]  }
0x1da: {  	v9 =	vld [tilespmem:s22+$0xFFFFFF80]  }
0x1db: {  	v29 =	vld.idx.msk [tilespmem:v3+s6+$0x0], $0xffff  }
0x1dc: {  	v27 =	vld.idx.msk [tilespmem:v10+s26+$0x0], $0xffff  }
0x1dd: {  	v10 =	vld.idx.msk [tilespmem:v19+s26+$0x0], $0xffff  }
0x1de: {  	v19 =	vld.idx.msk [tilespmem:v12+s26+$0x0], $0xffff  }
0x1df: {  	v30 =	vld.idx.msk [tilespmem:v26+s6+$0x0], $0xffff  }
0x1e0: {  	v32 =	vld.idx.msk [tilespmem:v4+s6+$0x0], $0xffff  }
0x1e1: {  	v33 =	vld.idx.msk [tilespmem:v6+s6+$0x0], $0xffff  }
0x1e2: {  	v34 =	vld.idx.msk [tilespmem:v16+s6+$0x0], $0xffff  }
0x1e3: {  	v12 =	vld.idx.msk [tilespmem:v1+s6+$0x0], $0xffff  }
0x1e4: {  	v35 =	vld.idx.msk [tilespmem:v22+s6+$0x0], $0xffff  }
0x1e5: {  	v36 =	vld.idx.msk [tilespmem:v31+s6+$0x0], $0xffff  }
0x1e6: {  	v37 =	vld.idx.msk [tilespmem:v25+s6+$0x0], $0xffff  }
0x1e7: {  	v38 =	vld.idx.msk [tilespmem:v17+s6+$0x0], $0xffff  }
0x1e8: {  	v23 =	vld.idx.msk [tilespmem:v7+s6+$0x0], $0xffff  }
0x1e9: {  	v13 =	vld.idx.msk [tilespmem:v13+s26+$0x0], $0xffff  }
0x1ea: {  	v20 =	vld.idx.msk [tilespmem:v20+s26+$0x0], $0xffff  }
0x1eb: {  	v59 =	vld.idx.msk [tilespmem:v8+s6+$0x0], $0xffff;
	v30 =	vsub.f32 v34, v30  }
0x1ec: {  	v61 =	vld.idx.msk [tilespmem:v11+s6+$0x0], $0xffff;
	v35 =	vsub.f32 v35, v36;
	v60 =	vsub.f32 v37, v38  }
0x1ed: {  	v24 =	vld.idx.msk [tilespmem:v24+s26+$0x0], $0xffff;
	v19 =	vadd.f32 v19, v30  }
0x1ee: {  	v30 =	vld.idx.msk [tilespmem:v5+s6+$0x0], $0xffff;
	v35 =	vadd.f32 v27, v35;
	v13 =	vadd.f32 v13, v60  }
0x1ef: {  	v62 =	vld.idx.msk [tilespmem:v21+s26+$0x0], $0xffff;
	v19 =	vmul.f32 v19, v19  }
0x1f0: {  	v21 =	vld.idx.msk [tilespmem:v2+s6+$0x0], $0xffff;
	v35 =	vmul.f32 v35, v35;
	v13 =	vmul.f32 v13, v13  }
0x1f1: {  	v27 =	vld.idx.msk [tilespmem:v9+s6+$0x0], $0xffff;
	v19 =	vadd.f32 v19, v18  }
0x1f2: {  	s12 =	simm.s32 $0x1B140;
	v18 =	vld.idx.msk [tilespmem:v28+s26+$0x0], $0xffff;
	v13 =	vadd.f32 v13, v15;
	v15 =	vadd.f32 v35, v14  }
0x1f3: {  	v63 =	vsub.f32 v61, v59;
	v14 =	vld [tilespmem:s4+$0xFFFFFFF0];
	v28 =	vsub.f32 v30, v29;
	vm0 =	vle.f32 v19, v0;
	[tilespmem:s12+$0x0] =	vst v19  }
0x1f4: {  	s11 =	simm.s32 $0x1B680;
	v29 =	vsub.f32 v32, v33;
	v30 =	vld [tilespmem:s4+$0x30];
	vm15 =	vle.f32 v13, v0;
	[tilespmem:s12+$0xFFFFFFE0] =	vst v15;
	v19 =	vnsel vm0, $0xFFFFFFFF, v26  }
0x1f5: {  	vm1 =	vle.f32 v15, v0;
	v26 =	vnsel vm0, $0xFFFFFFFF, v16;
	v16 =	vld [tilespmem:s4+$0x20];
	[tilespmem:s11+$0xFFFFFFC0] =	vst v19;
	v19 =	vadd.f32 v24, v28  }
0x1f6: {  	s8 =	smov.u32 s31;
	s31 =	simm.s32 $0x1B680;
	s5 =	simm.s32 $0x193C0;
	[tilespmem:s12+$0xFFFFFFD0] =	vst v13;
	v15 =	vadd.f32 v62, v63;
	v25 =	vnsel vm15, $0xFFFFFFFF, v25;
	v13 =	vnsel vm1, $0xFFFFFFFF, v22;
	v22 =	vld [tilespmem:s4+$0x10]  }
0x1f7: {  	s14 =	simm.s32 $0x0;
	s20 =	simm.s32 $0x1B1C0;
	[tilespmem:s11+$0x40] =	vst v26;
	v28 =	vld [tilespmem:s4+$0xFFFFFFC0];
	v26 =	vnsel vm15, $0xFFFFFFFF, v17;
	v17 =	vnsel vm1, $0xFFFFFFFF, v31;
	s4 =	simm.s32 $0x198C0;
	v24 =	vmul.f32 v19, v19  }
.LBB2_9:
0x1f8: {  	v19 =	vld [tilespmem:s5+$0xFFFFFFD0];
	s14 =	sadd.s32 $0x80, s14;
	v23 =	vsub.f32 v23, v27;
	[tilespmem:s11+$0x20] =	vst v13;
	v18 =	vadd.f32 v18, v29;
	s22 =	sadd.s32 $0x100, s22;
	s31 =	sadd.s32 $0x100, s31  }
0x1f9: {  	v13 =	vld [tilespmem:s4+$0xFFFFFFE0];
	p1 =	slt.u32 s14, $0x480;
	v27 =	vmul.f32 v15, v15  }
0x1fa: {  	v29 =	vld [tilespmem:s22+$0xFFFFFFB0];
	v20 =	vadd.f32 v20, v23;
	v18 =	vmul.f32 v18, v18  }
0x1fb: {  	v15 =	vld [tilespmem:s4+$0xFFFFFFD0];
	v23 =	vadd.f32 v27, v30  }
0x1fc: {  	v27 =	vld [tilespmem:s22+$0x30];
	v20 =	vmul.f32 v20, v20;
	v22 =	vadd.f32 v18, v22  }
0x1fd: {  	v18 =	vld [tilespmem:s22+$0x40];
	[tilespmem:s11+$0xFFFFFFA0] =	vst v17;
	vm0 =	vle.f32 v23, v0  }
0x1fe: {  	v30 =	vld [tilespmem:s22+$0xFFFFFFD0];
	v20 =	vadd.f32 v20, v28;
	[tilespmem:s12+$0x10] =	vst v22;
	v8 =	vnsel vm0, $0xFFFFFFFF, v8;
	v11 =	vnsel vm0, $0xFFFFFFFF, v11  }
0x1ff: {  	vm0 =	vle.f32 v22, v0;
	v28 =	vld [tilespmem:s22+$0x50];
	[tilespmem:s12+$0x30] =	vst v23  }
0x200: {  	v6 =	vnsel vm0, $0xFFFFFFFF, v6;
	v4 =	vnsel vm0, $0xFFFFFFFF, v4;
	v23 =	vld [tilespmem:s5+$0x0];
	vm1 =	vle.f32 v20, v0;
	[tilespmem:s11+$0x70] =	vst v11  }
0x201: {  	v17 =	vld [tilespmem:s22+$0xFFFFFF90];
	v9 =	vnsel vm1, $0xFFFFFFFF, v9;
	v11 =	vnsel vm1, $0xFFFFFFFF, v7;
	[tilespmem:s11+$0xFFFFFFD0] =	vst v6  }
0x202: {  	v31 =	vld [tilespmem:s5+$0xFFFFFFE0];
	[tilespmem:s11+$0xFFFFFFF0] =	vst v8  }
0x203: {  	v7 =	vsub.f32 v21, v12;
	v32 =	vld [tilespmem:s4+$0x0];
	[tilespmem:s11+$0xFFFFFF90] =	vst v26;
	v6 =	vmov v30  }
0x204: {  	v12 =	vld [tilespmem:s5+$0xFFFFFFF0];
	[tilespmem:s11+$0x50] =	vst v4;
	v4 =	vmov v28  }
0x205: {  	v8 =	vadd.f32 v10, v7;
	v21 =	vld [tilespmem:s5+$0x30]  }
0x206: {  	v22 =	vld [tilespmem:s22+$0x20];
	[tilespmem:s11+$0x10] =	vst v25  }
0x207: {  	v10 =	vmul.f32 v8, v8;
	v7 =	vld [tilespmem:s22+$0x0]  }
0x208: {  	v16 =	vadd.f32 v24, v16;
	v25 =	vld [tilespmem:s5+$0x20];
	[tilespmem:s12+$0xFFFFFFC0] =	vst v20  }
0x209: {  	v10 =	vadd.f32 v10, v14;
	v8 =	vld [tilespmem:s22+$0xFFFFFFF0];
	[tilespmem:s11+$0x0] =	vst v11  }
0x20a: {  	vm0 =	vle.f32 v16, v0;
	v14 =	vld [tilespmem:s22+$0xFFFFFFE0];
	[tilespmem:s12+$0x20] =	vst v16  }
0x20b: {  	v3 =	vnsel vm0, $0xFFFFFFFF, v3;
	v5 =	vnsel vm0, $0xFFFFFFFF, v5;
	vm1 =	vle.f32 v10, v0;
	v24 =	vld [tilespmem:s22+$0x10];
	[tilespmem:s12+$0xFFFFFFF0] =	vst v10;
	s12 =	smov.u32 s20  }
0x20c: {  	v10 =	vnsel vm1, $0xFFFFFFFF, v2;
	v2 =	vmovc v27;
	v16 =	vld [tilespmem:s5+$0xFFFFFFC0];
	[tilespmem:s11+$0xFFFFFF80] =	vst v9;
	v9 =	vnsel vm1, $0xFFFFFFFF, v1;
	v1 =	vmov v29  }
0x20d: {  	v11 =	vld [tilespmem:s22+$0x70];
	[tilespmem:s11+$0x60] =	vst v5  }
0x20e: {  	v33 =	vld [tilespmem:s22+$0xFFFFFFA0];
	[tilespmem:s11+$0x30] =	vst v10  }
0x20f: {  	v26 =	vld [tilespmem:s22+$0xFFFFFFC0];
	[tilespmem:s11+$0xFFFFFFE0] =	vst v3;
	v3 =	vmov v14  }
0x210: {  	v5 =	vld [tilespmem:s22+$0x60];
	[tilespmem:s11+$0xFFFFFFB0] =	vst v9;
	s11 =	smov.u32 s31  }
0x211: {  	v28 =	vld [tilespmem:s5+$0x10]  }
0x212: {  	v9 =	vld [tilespmem:s22+$0xFFFFFF80]  }
0x213: {  	v14 =	vld.idx.msk [tilespmem:v14+s6+$0x0], $0xffff  }
0x214: {  	v27 =	vld.idx.msk [tilespmem:v31+s26+$0x0], $0xffff  }
0x215: {  	v10 =	vld.idx.msk [tilespmem:v12+s26+$0x0], $0xffff  }
0x216: {  	v29 =	vld.idx.msk [tilespmem:v23+s26+$0x0], $0xffff  }
0x217: {  	v20 =	vld.idx.msk [tilespmem:v26+s6+$0x0], $0xffff  }
0x218: {  	v30 =	vld.idx.msk [tilespmem:v4+s6+$0x0], $0xffff  }
0x219: {  	v31 =	vld.idx.msk [tilespmem:v6+s6+$0x0], $0xffff  }
0x21a: {  	v34 =	vld.idx.msk [tilespmem:v18+s6+$0x0], $0xffff  }
0x21b: {  	v12 =	vld.idx.msk [tilespmem:v1+s6+$0x0], $0xffff  }
0x21c: {  	v35 =	vld.idx.msk [tilespmem:v22+s6+$0x0], $0xffff  }
0x21d: {  	v36 =	vld.idx.msk [tilespmem:v33+s6+$0x0], $0xffff  }
0x21e: {  	v37 =	vld.idx.msk [tilespmem:v24+s6+$0x0], $0xffff  }
0x21f: {  	v38 =	vld.idx.msk [tilespmem:v17+s6+$0x0], $0xffff  }
0x220: {  	v34 =	vsub.f32 v34, v20;
	v23 =	vld.idx.msk [tilespmem:v7+s6+$0x0], $0xffff  }
0x221: {  	v19 =	vld.idx.msk [tilespmem:v19+s26+$0x0], $0xffff  }
0x222: {  	v20 =	vld.idx.msk [tilespmem:v16+s26+$0x0], $0xffff;
	v16 =	vadd.f32 v29, v34  }
0x223: {  	v29 =	vsub.f32 v35, v36;
	v34 =	vld.idx.msk [tilespmem:v8+s6+$0x0], $0xffff  }
0x224: {  	v16 =	vmul.f32 v16, v16;
	v35 =	vld.idx.msk [tilespmem:v5+s6+$0x0], $0xffff  }
0x225: {  	v36 =	vsub.f32 v37, v38;
	v27 =	vadd.f32 v27, v29;
	v37 =	vld.idx.msk [tilespmem:v11+s6+$0x0], $0xffff  }
0x226: {  	v16 =	vadd.f32 v16, v32;
	v25 =	vld.idx.msk [tilespmem:v25+s26+$0x0], $0xffff  }
0x227: {  	v19 =	vadd.f32 v19, v36;
	v32 =	vmul.f32 v27, v27;
	v36 =	vld.idx.msk [tilespmem:v21+s26+$0x0], $0xffff  }
0x228: {  	v29 =	vsub.f32 v30, v31;
	v27 =	vld.idx.msk [tilespmem:v9+s6+$0x0], $0xffff;
	vm0 =	vle.f32 v16, v0;
	[tilespmem:s20+$0x0] =	vst v16  }
0x229: {  	v16 =	vmul.f32 v19, v19;
	v19 =	vnsel vm0, $0xFFFFFFFF, v26;
	v26 =	vnsel vm0, $0xFFFFFFFF, v18;
	v18 =	vld.idx.msk [tilespmem:v28+s26+$0x0], $0xffff  }
0x22a: {  	v21 =	vld.idx.msk [tilespmem:v2+s6+$0x0], $0xffff;
	[tilespmem:s31+$0xFFFFFFC0] =	vst v19;
	v19 =	vsub.f32 v35, v14  }
.Ltmp3:
0x22b: {  	v13 =	vadd.f32 v32, v13;
	v15 =	vadd.f32 v16, v15;
	v14 =	vld [tilespmem:s4+$0xFFFFFFF0];
	[tilespmem:s31+$0x40] =	vst v26;
	(pc) =	sbr.rel @p1 .LBB2_9-.Ltmp3, $4  }
0x22c: {  	v31 =	vsub.f32 v37, v34;
	v16 =	vld [tilespmem:s4+$0x20];
	v19 =	vadd.f32 v25, v19  }
0x22d: {  	vm1 =	vle.f32 v13, v0;
	vm0 =	vle.f32 v15, v0;
	v28 =	vld [tilespmem:s4+$0xFFFFFFC0]  }
0x22e: {  	v26 =	vnsel vm0, $0xFFFFFFFF, v17;
	v25 =	vnsel vm0, $0xFFFFFFFF, v24;
	[tilespmem:s20+$0xFFFFFFE0] =	vst v13;
	v24 =	vmul.f32 v19, v19;
	v30 =	vld [tilespmem:s4+$0x30]  }
0x22f: {  	s5 =	sadd.s32 $0x80, s5;
	v17 =	vnsel vm1, $0xFFFFFFFF, v33;
	v13 =	vnsel vm1, $0xFFFFFFFF, v22;
	s20 =	sadd.s32 $0x80, s20;
	[tilespmem:s12+$0xFFFFFFD0] =	vst v15;
	v22 =	vld [tilespmem:s4+$0x10];
	v15 =	vadd.f32 v36, v31;
	s4 =	sadd.s32 $0x80, s4  }
0x230: {  	v18 =	vadd.f32 v18, v29  }
0x231: {  	v15 =	vmul.f32 v15, v15  }
0x232: {  	v18 =	vmul.f32 v18, v18  }
0x233: {  	[tilespmem:s11+$0x20] =	vst v13;
	v13 =	vadd.f32 v15, v30  }
0x234: {  	[tilespmem:s11+$0xFFFFFFA0] =	vst v17;
	v15 =	vadd.f32 v18, v22;
	v18 =	vsub.f32 v23, v27  }
0x235: {  	[tilespmem:s11+$0xFFFFFF90] =	vst v26  }
0x236: {  	vm0 =	vle.f32 v13, v0;
	[tilespmem:s12+$0x30] =	vst v13;
	v17 =	vadd.f32 v20, v18  }
0x237: {  	[tilespmem:s12+$0x10] =	vst v15;
	v11 =	vnsel vm0, $0xFFFFFFFF, v11;
	vm1 =	vle.f32 v15, v0  }
0x238: {  	v6 =	vnsel vm1, $0xFFFFFFFF, v6;
	[tilespmem:s11+$0x70] =	vst v11;
	v11 =	vmul.f32 v17, v17  }
0x239: {  	v8 =	vnsel vm0, $0xFFFFFFFF, v8;
	[tilespmem:s11+$0xFFFFFFD0] =	vst v6;
	v6 =	vsub.f32 v21, v12  }
0x23a: {  	[tilespmem:s11+$0xFFFFFFF0] =	vst v8;
	v8 =	vadd.f32 v11, v28  }
0x23b: {  	[tilespmem:s11+$0x10] =	vst v25;
	v4 =	vnsel vm1, $0xFFFFFFFF, v4;
	v6 =	vadd.f32 v10, v6  }
0x23c: {  	[tilespmem:s11+$0x50] =	vst v4;
	vm10 =	vle.f32 v8, v0  }
0x23d: {  	v4 =	vmul.f32 v6, v6;
	[tilespmem:s12+$0xFFFFFFC0] =	vst v8;
	v6 =	vnsel vm10, $0xFFFFFFFF, v7;
	v7 =	vadd.f32 v24, v16  }
0x23e: {  	[tilespmem:s11+$0x0] =	vst v6  }
0x23f: {  	v4 =	vadd.f32 v4, v14;
	v6 =	vnsel vm10, $0xFFFFFFFF, v9;
	[tilespmem:s12+$0x20] =	vst v7  }
0x240: {  	p1 =	slt.s32 s21, $0x9C3;
	vm11 =	vle.f32 v7, v0;
	[tilespmem:s11+$0xFFFFFF80] =	vst v6  }
0x241: {  	s21 =	simm.s32 @!p1 $0x9C3;
	[tilespmem:s12+$0xFFFFFFF0] =	vst v4;
	vm12 =	vle.f32 v4, v0;
	v4 =	vnsel vm11, $0xFFFFFFFF, v5  }
0x242: {  	s4 =	smul.u32 $0x500, s21;
	v3 =	vnsel vm11, $0xFFFFFFFF, v3;
	[tilespmem:s11+$0x60] =	vst v4  }
0x243: {  	v2 =	vnsel vm12, $0xFFFFFFFF, v2;
	[tilespmem:s11+$0xFFFFFFE0] =	vst v3  }
0x244: {  	s4 =	sshrl.u32 s4, $0x3;
	v1 =	vnsel vm12, $0xFFFFFFFF, v1;
	[tilespmem:s11+$0x30] =	vst v2  }
0x245: {  	s5 =	simm.s32 $0x1B100;
	s22 =	smul.u32 $0xA00, s21;
	s4 =	sadd.s32 s8, s4;
	[tilespmem:s11+$0xFFFFFFB0] =	vst v1  }
0x246: {  	[hbm4b:s4+s6] =	stream.linear.scatter [tilespmem:s5], [sflag:$0x3], $0x500, $0x38;
	[tilespmem:$0x1CF00] =	vst v63  }
0x247: {  	s5 =	sadd.s32 s19, s10  }
0x248: {  	s4 =	sshrl.u32 s22, $0x3;
	p1 =	slt.s32 s5, $0x9C3  }
0x249: {  	s11 =	simm.s32 $0x1B600;
	s4 =	sadd.s32 s0, s4;
	s5 =	simm.s32 @!p1 $0x9C3  }
0x24a: {  	[hbm4b:s4+s6] =	stream.linear.scatter [tilespmem:s11], [sflag:$0x3], $0xA00, $0x38;
	[tilespmem:$0x1CF00] =	vst v63  }
0x24b: {  	s31 =	smov.u32 s8;
	s8 =	smul.u32 $0xA00, s5  }
0x24c: {  	s5 =	smul.u32 $0x500, s5  }
0x24d: {  	s12 =	sshrl.u32 s8, $0x3  }
0x24e: {  	s14 =	sshrl.u32 s5, $0x3;
	s4 =	sadd.s32 s1, s12  }
0x24f: {  	[tilespmem:s29], [sflag:$0x1] =	stream.linear.gather [hbm4b:s4+s6], $0xA00, $0x38;
	[tilespmem:$0x1CF00] =	vst v63  }
0x250: {  	s5 =	sadd.s32 s2, s14  }
0x251: {  	[tilespmem:s30], [sflag:$0x1] =	stream.linear.gather [hbm4b:s5+s6], $0x500, $0x38;
	[tilespmem:$0x1CF00] =	vst v63  }
0x252: {  	s4 =	sadd.s32 s15, s14  }
0x253: {  	[tilespmem:s28], [sflag:$0x1] =	stream.linear.gather [hbm4b:s4+s6], $0x500, $0x38;
	[tilespmem:$0x1CF00] =	vst v63  }
0x254: {  	_ =	swait.ge [sflag:s3], $0xA00  }
0x255: {  	[sflag:s3] =	ssyncset.done $0x0  }
0x256: {  	[sflag:s3] =	ssyncadd.s32 $0xFFFFF600  }
0x257: {  	_ =	swait.ge [sflag:s3], $0x500  }
0x258: {  	[sflag:s3] =	ssyncset.done $0x0  }
0x259: {  	[sflag:s3] =	ssyncadd.s32 $0xFFFFFB00  }
0x25a: {  	_ =	swait.ge [sflag:s3], $0x500  }
0x25b: {  	[sflag:s3] =	ssyncset.done $0x0  }
0x25c: {  	s4 =	simm.s32 @!p0 $0x4;
	[sflag:s3] =	ssyncadd.s32 $0xFFFFFB00  }
0x25d: {  	_ =	swait.ge @!p0 [sflag:s4], $0x500  }
0x25e: {  	[sflag:s4] =	ssyncset.done @!p0 $0x0  }
0x25f: {  	[sflag:s4] =	ssyncadd.s32 @!p0 $0xFFFFFB00  }
0x260: {  	_ =	swait.ge @!p0 [sflag:s4], $0xA00  }
0x261: {  	[sflag:s4] =	ssyncset.done @!p0 $0x0  }
0x262: {  	s20 =	simm.s32 $0x1A740;
	[sflag:s4] =	ssyncadd.s32 @!p0 $0xFFFFF600  }
0x263: {  	s21 =	simm.s32 $0x1AC40;
	v13 =	vld [tilespmem:s20+$0xFFFFFFD0]  }
0x264: {  	s10 =	simm.s32 $0x19D80;
	v14 =	vld [tilespmem:s21+$0xFFFFFFE0]  }
0x265: {  	v1 =	vld [tilespmem:s10+$0xFFFFFFB0]  }
0x266: {  	v15 =	vld [tilespmem:s21+$0xFFFFFFD0]  }
0x267: {  	v2 =	vld [tilespmem:s10+$0x30]  }
0x268: {  	v16 =	vld [tilespmem:s10+$0x40]  }
0x269: {  	v6 =	vld [tilespmem:s10+$0xFFFFFFD0]  }
0x26a: {  	v4 =	vld [tilespmem:s10+$0x50]  }
0x26b: {  	v12 =	vld [tilespmem:s20+$0x0]  }
0x26c: {  	v17 =	vld [tilespmem:s10+$0xFFFFFF90]  }
0x26d: {  	v10 =	vld [tilespmem:s20+$0xFFFFFFE0]  }
0x26e: {  	v18 =	vld [tilespmem:s21+$0x0]  }
0x26f: {  	v19 =	vld [tilespmem:s20+$0xFFFFFFF0]  }
0x270: {  	v21 =	vld [tilespmem:s20+$0x30]  }
0x271: {  	v22 =	vld [tilespmem:s10+$0x20]  }
0x272: {  	v7 =	vld [tilespmem:s10+$0x0]  }
0x273: {  	v24 =	vld [tilespmem:s20+$0x20]  }
0x274: {  	v8 =	vld [tilespmem:s10+$0xFFFFFFF0]  }
0x275: {  	v3 =	vld [tilespmem:s10+$0xFFFFFFE0]  }
0x276: {  	v25 =	vld [tilespmem:s10+$0x10]  }
0x277: {  	v20 =	vld [tilespmem:s20+$0xFFFFFFC0]  }
0x278: {  	v11 =	vld [tilespmem:s10+$0x70]  }
0x279: {  	v31 =	vld [tilespmem:s10+$0xFFFFFFA0]  }
0x27a: {  	v26 =	vld [tilespmem:s10+$0xFFFFFFC0]  }
0x27b: {  	v5 =	vld [tilespmem:s10+$0x60]  }
0x27c: {  	v28 =	vld [tilespmem:s20+$0x10]  }
0x27d: {  	v9 =	vld [tilespmem:s10+$0xFFFFFF80]  }
0x27e: {  	v29 =	vld.idx.msk [tilespmem:v3+s6+$0x0], $0xffff  }
0x27f: {  	v27 =	vld.idx.msk [tilespmem:v10+s26+$0x0], $0xffff  }
0x280: {  	v10 =	vld.idx.msk [tilespmem:v19+s26+$0x0], $0xffff  }
0x281: {  	v19 =	vld.idx.msk [tilespmem:v12+s26+$0x0], $0xffff  }
0x282: {  	v30 =	vld.idx.msk [tilespmem:v26+s6+$0x0], $0xffff  }
0x283: {  	v32 =	vld.idx.msk [tilespmem:v4+s6+$0x0], $0xffff  }
0x284: {  	v33 =	vld.idx.msk [tilespmem:v6+s6+$0x0], $0xffff  }
0x285: {  	v34 =	vld.idx.msk [tilespmem:v16+s6+$0x0], $0xffff  }
0x286: {  	v12 =	vld.idx.msk [tilespmem:v1+s6+$0x0], $0xffff  }
0x287: {  	v35 =	vld.idx.msk [tilespmem:v22+s6+$0x0], $0xffff  }
0x288: {  	v36 =	vld.idx.msk [tilespmem:v31+s6+$0x0], $0xffff  }
0x289: {  	v37 =	vld.idx.msk [tilespmem:v25+s6+$0x0], $0xffff  }
0x28a: {  	v38 =	vld.idx.msk [tilespmem:v17+s6+$0x0], $0xffff  }
0x28b: {  	v23 =	vld.idx.msk [tilespmem:v7+s6+$0x0], $0xffff  }
0x28c: {  	v13 =	vld.idx.msk [tilespmem:v13+s26+$0x0], $0xffff  }
0x28d: {  	v20 =	vld.idx.msk [tilespmem:v20+s26+$0x0], $0xffff  }
0x28e: {  	v59 =	vld.idx.msk [tilespmem:v8+s6+$0x0], $0xffff;
	v30 =	vsub.f32 v34, v30  }
0x28f: {  	v61 =	vld.idx.msk [tilespmem:v11+s6+$0x0], $0xffff;
	v35 =	vsub.f32 v35, v36;
	v60 =	vsub.f32 v37, v38  }
0x290: {  	v24 =	vld.idx.msk [tilespmem:v24+s26+$0x0], $0xffff;
	v19 =	vadd.f32 v19, v30  }
0x291: {  	v30 =	vld.idx.msk [tilespmem:v5+s6+$0x0], $0xffff;
	v35 =	vadd.f32 v27, v35;
	v13 =	vadd.f32 v13, v60  }
0x292: {  	v62 =	vld.idx.msk [tilespmem:v21+s26+$0x0], $0xffff;
	v19 =	vmul.f32 v19, v19  }
0x293: {  	v21 =	vld.idx.msk [tilespmem:v2+s6+$0x0], $0xffff;
	v35 =	vmul.f32 v35, v35;
	v13 =	vmul.f32 v13, v13  }
0x294: {  	v27 =	vld.idx.msk [tilespmem:v9+s6+$0x0], $0xffff;
	v19 =	vadd.f32 v19, v18  }
0x295: {  	s12 =	simm.s32 $0x1C040;
	v18 =	vld.idx.msk [tilespmem:v28+s26+$0x0], $0xffff;
	v13 =	vadd.f32 v13, v15;
	v15 =	vadd.f32 v35, v14  }
0x296: {  	v63 =	vsub.f32 v61, v59;
	v14 =	vld [tilespmem:s21+$0xFFFFFFF0];
	v28 =	vsub.f32 v30, v29;
	vm13 =	vle.f32 v19, v0;
	[tilespmem:s12+$0x0] =	vst v19  }
0x297: {  	s11 =	simm.s32 $0x1C580;
	v29 =	vsub.f32 v32, v33;
	v30 =	vld [tilespmem:s21+$0x30];
	vm14 =	vle.f32 v13, v0;
	[tilespmem:s12+$0xFFFFFFE0] =	vst v15;
	v19 =	vnsel vm13, $0xFFFFFFFF, v26  }
0x298: {  	vm15 =	vle.f32 v15, v0;
	v26 =	vnsel vm13, $0xFFFFFFFF, v16;
	v16 =	vld [tilespmem:s21+$0x20];
	[tilespmem:s11+$0xFFFFFFC0] =	vst v19;
	v19 =	vadd.f32 v24, v28  }
0x299: {  	s22 =	smov.u32 s0;
	s14 =	simm.s32 $0x0;
	s5 =	simm.s32 $0x1A7C0;
	[tilespmem:s12+$0xFFFFFFD0] =	vst v13;
	v15 =	vadd.f32 v62, v63;
	v25 =	vnsel vm14, $0xFFFFFFFF, v25;
	v13 =	vnsel vm15, $0xFFFFFFFF, v22;
	v22 =	vld [tilespmem:s21+$0x10]  }
0x29a: {  	s4 =	simm.s32 $0x1ACC0;
	s20 =	simm.s32 $0x1C0C0;
	[tilespmem:s11+$0x40] =	vst v26;
	v28 =	vld [tilespmem:s21+$0xFFFFFFC0];
	v26 =	vnsel vm14, $0xFFFFFFFF, v17;
	v17 =	vnsel vm15, $0xFFFFFFFF, v31;
	s21 =	simm.s32 $0x1C580;
	v24 =	vmul.f32 v19, v19  }
.LBB2_11:
0x29b: {  	v19 =	vld [tilespmem:s5+$0xFFFFFFD0];
	s14 =	sadd.s32 $0x80, s14;
	v23 =	vsub.f32 v23, v27;
	[tilespmem:s11+$0x20] =	vst v13;
	v18 =	vadd.f32 v18, v29;
	s10 =	sadd.s32 $0x100, s10;
	s21 =	sadd.s32 $0x100, s21  }
0x29c: {  	v13 =	vld [tilespmem:s4+$0xFFFFFFE0];
	p0 =	slt.u32 s14, $0x480;
	v27 =	vmul.f32 v15, v15  }
0x29d: {  	v29 =	vld [tilespmem:s10+$0xFFFFFFB0];
	v20 =	vadd.f32 v20, v23;
	v18 =	vmul.f32 v18, v18  }
0x29e: {  	v15 =	vld [tilespmem:s4+$0xFFFFFFD0];
	v23 =	vadd.f32 v27, v30  }
0x29f: {  	v27 =	vld [tilespmem:s10+$0x30];
	v20 =	vmul.f32 v20, v20;
	v22 =	vadd.f32 v18, v22  }
0x2a0: {  	v18 =	vld [tilespmem:s10+$0x40];
	[tilespmem:s11+$0xFFFFFFA0] =	vst v17;
	vm0 =	vle.f32 v23, v0  }
0x2a1: {  	v30 =	vld [tilespmem:s10+$0xFFFFFFD0];
	v20 =	vadd.f32 v20, v28;
	[tilespmem:s12+$0x10] =	vst v22;
	v8 =	vnsel vm0, $0xFFFFFFFF, v8;
	v11 =	vnsel vm0, $0xFFFFFFFF, v11  }
0x2a2: {  	vm0 =	vle.f32 v22, v0;
	v28 =	vld [tilespmem:s10+$0x50];
	[tilespmem:s12+$0x30] =	vst v23  }
0x2a3: {  	v6 =	vnsel vm0, $0xFFFFFFFF, v6;
	v4 =	vnsel vm0, $0xFFFFFFFF, v4;
	v23 =	vld [tilespmem:s5+$0x0];
	vm1 =	vle.f32 v20, v0;
	[tilespmem:s11+$0x70] =	vst v11  }
0x2a4: {  	v17 =	vld [tilespmem:s10+$0xFFFFFF90];
	v9 =	vnsel vm1, $0xFFFFFFFF, v9;
	v11 =	vnsel vm1, $0xFFFFFFFF, v7;
	[tilespmem:s11+$0xFFFFFFD0] =	vst v6  }
0x2a5: {  	v31 =	vld [tilespmem:s5+$0xFFFFFFE0];
	[tilespmem:s11+$0xFFFFFFF0] =	vst v8  }
0x2a6: {  	v7 =	vsub.f32 v21, v12;
	v32 =	vld [tilespmem:s4+$0x0];
	[tilespmem:s11+$0xFFFFFF90] =	vst v26;
	v6 =	vmov v30  }
0x2a7: {  	v12 =	vld [tilespmem:s5+$0xFFFFFFF0];
	[tilespmem:s11+$0x50] =	vst v4;
	v4 =	vmov v28  }
0x2a8: {  	v8 =	vadd.f32 v10, v7;
	v21 =	vld [tilespmem:s5+$0x30]  }
0x2a9: {  	v22 =	vld [tilespmem:s10+$0x20];
	[tilespmem:s11+$0x10] =	vst v25  }
0x2aa: {  	v10 =	vmul.f32 v8, v8;
	v7 =	vld [tilespmem:s10+$0x0]  }
0x2ab: {  	v16 =	vadd.f32 v24, v16;
	v25 =	vld [tilespmem:s5+$0x20];
	[tilespmem:s12+$0xFFFFFFC0] =	vst v20  }
0x2ac: {  	v10 =	vadd.f32 v10, v14;
	v8 =	vld [tilespmem:s10+$0xFFFFFFF0];
	[tilespmem:s11+$0x0] =	vst v11  }
0x2ad: {  	vm0 =	vle.f32 v16, v0;
	v14 =	vld [tilespmem:s10+$0xFFFFFFE0];
	[tilespmem:s12+$0x20] =	vst v16  }
0x2ae: {  	v3 =	vnsel vm0, $0xFFFFFFFF, v3;
	v5 =	vnsel vm0, $0xFFFFFFFF, v5;
	vm1 =	vle.f32 v10, v0;
	v24 =	vld [tilespmem:s10+$0x10];
	[tilespmem:s12+$0xFFFFFFF0] =	vst v10;
	s12 =	smov.u32 s20  }
0x2af: {  	v10 =	vnsel vm1, $0xFFFFFFFF, v2;
	v2 =	vmovc v27;
	v16 =	vld [tilespmem:s5+$0xFFFFFFC0];
	[tilespmem:s11+$0xFFFFFF80] =	vst v9;
	v9 =	vnsel vm1, $0xFFFFFFFF, v1;
	v1 =	vmov v29  }
0x2b0: {  	v11 =	vld [tilespmem:s10+$0x70];
	[tilespmem:s11+$0x60] =	vst v5  }
0x2b1: {  	v33 =	vld [tilespmem:s10+$0xFFFFFFA0];
	[tilespmem:s11+$0x30] =	vst v10  }
0x2b2: {  	v26 =	vld [tilespmem:s10+$0xFFFFFFC0];
	[tilespmem:s11+$0xFFFFFFE0] =	vst v3;
	v3 =	vmov v14  }
0x2b3: {  	v5 =	vld [tilespmem:s10+$0x60];
	[tilespmem:s11+$0xFFFFFFB0] =	vst v9;
	s11 =	smov.u32 s21  }
0x2b4: {  	v28 =	vld [tilespmem:s5+$0x10]  }
0x2b5: {  	v9 =	vld [tilespmem:s10+$0xFFFFFF80]  }
0x2b6: {  	v14 =	vld.idx.msk [tilespmem:v14+s6+$0x0], $0xffff  }
0x2b7: {  	v27 =	vld.idx.msk [tilespmem:v31+s26+$0x0], $0xffff  }
0x2b8: {  	v10 =	vld.idx.msk [tilespmem:v12+s26+$0x0], $0xffff  }
0x2b9: {  	v29 =	vld.idx.msk [tilespmem:v23+s26+$0x0], $0xffff  }
0x2ba: {  	v20 =	vld.idx.msk [tilespmem:v26+s6+$0x0], $0xffff  }
0x2bb: {  	v30 =	vld.idx.msk [tilespmem:v4+s6+$0x0], $0xffff  }
0x2bc: {  	v31 =	vld.idx.msk [tilespmem:v6+s6+$0x0], $0xffff  }
0x2bd: {  	v34 =	vld.idx.msk [tilespmem:v18+s6+$0x0], $0xffff  }
0x2be: {  	v12 =	vld.idx.msk [tilespmem:v1+s6+$0x0], $0xffff  }
0x2bf: {  	v35 =	vld.idx.msk [tilespmem:v22+s6+$0x0], $0xffff  }
0x2c0: {  	v36 =	vld.idx.msk [tilespmem:v33+s6+$0x0], $0xffff  }
0x2c1: {  	v37 =	vld.idx.msk [tilespmem:v24+s6+$0x0], $0xffff  }
0x2c2: {  	v38 =	vld.idx.msk [tilespmem:v17+s6+$0x0], $0xffff  }
0x2c3: {  	v34 =	vsub.f32 v34, v20;
	v23 =	vld.idx.msk [tilespmem:v7+s6+$0x0], $0xffff  }
0x2c4: {  	v19 =	vld.idx.msk [tilespmem:v19+s26+$0x0], $0xffff  }
0x2c5: {  	v20 =	vld.idx.msk [tilespmem:v16+s26+$0x0], $0xffff;
	v16 =	vadd.f32 v29, v34  }
0x2c6: {  	v29 =	vsub.f32 v35, v36;
	v34 =	vld.idx.msk [tilespmem:v8+s6+$0x0], $0xffff  }
0x2c7: {  	v16 =	vmul.f32 v16, v16;
	v35 =	vld.idx.msk [tilespmem:v5+s6+$0x0], $0xffff  }
0x2c8: {  	v36 =	vsub.f32 v37, v38;
	v27 =	vadd.f32 v27, v29;
	v37 =	vld.idx.msk [tilespmem:v11+s6+$0x0], $0xffff  }
0x2c9: {  	v16 =	vadd.f32 v16, v32;
	v25 =	vld.idx.msk [tilespmem:v25+s26+$0x0], $0xffff  }
0x2ca: {  	v19 =	vadd.f32 v19, v36;
	v32 =	vmul.f32 v27, v27;
	v36 =	vld.idx.msk [tilespmem:v21+s26+$0x0], $0xffff  }
0x2cb: {  	v29 =	vsub.f32 v30, v31;
	v27 =	vld.idx.msk [tilespmem:v9+s6+$0x0], $0xffff;
	vm0 =	vle.f32 v16, v0;
	[tilespmem:s20+$0x0] =	vst v16  }
0x2cc: {  	v16 =	vmul.f32 v19, v19;
	v19 =	vnsel vm0, $0xFFFFFFFF, v26;
	v26 =	vnsel vm0, $0xFFFFFFFF, v18;
	v18 =	vld.idx.msk [tilespmem:v28+s26+$0x0], $0xffff  }
0x2cd: {  	v21 =	vld.idx.msk [tilespmem:v2+s6+$0x0], $0xffff;
	[tilespmem:s21+$0xFFFFFFC0] =	vst v19;
	v19 =	vsub.f32 v35, v14  }
.Ltmp4:
0x2ce: {  	v13 =	vadd.f32 v32, v13;
	v15 =	vadd.f32 v16, v15;
	v14 =	vld [tilespmem:s4+$0xFFFFFFF0];
	[tilespmem:s21+$0x40] =	vst v26;
	(pc) =	sbr.rel @p0 .LBB2_11-.Ltmp4, $4  }
0x2cf: {  	v31 =	vsub.f32 v37, v34;
	v16 =	vld [tilespmem:s4+$0x20];
	v19 =	vadd.f32 v25, v19  }
0x2d0: {  	vm1 =	vle.f32 v13, v0;
	vm0 =	vle.f32 v15, v0;
	v28 =	vld [tilespmem:s4+$0xFFFFFFC0]  }
0x2d1: {  	v26 =	vnsel vm0, $0xFFFFFFFF, v17;
	v25 =	vnsel vm0, $0xFFFFFFFF, v24;
	[tilespmem:s20+$0xFFFFFFE0] =	vst v13;
	v24 =	vmul.f32 v19, v19;
	v30 =	vld [tilespmem:s4+$0x30]  }
0x2d2: {  	s5 =	sadd.s32 $0x80, s5;
	v17 =	vnsel vm1, $0xFFFFFFFF, v33;
	v13 =	vnsel vm1, $0xFFFFFFFF, v22;
	s20 =	sadd.s32 $0x80, s20;
	[tilespmem:s12+$0xFFFFFFD0] =	vst v15;
	v22 =	vld [tilespmem:s4+$0x10];
	v15 =	vadd.f32 v36, v31;
	s4 =	sadd.s32 $0x80, s4  }
0x2d3: {  	[tilespmem:s11+$0x20] =	vst v13  }
0x2d4: {  	v18 =	vadd.f32 v18, v29;
	[tilespmem:s11+$0xFFFFFFA0] =	vst v17;
	v15 =	vmul.f32 v15, v15  }
0x2d5: {  	[tilespmem:s11+$0xFFFFFF90] =	vst v26;
	v61 =	vadd.f32 v24, v16  }
0x2d6: {  	[tilespmem:s11+$0x10] =	vst v25;
	v18 =	vmul.f32 v18, v18;
	v52 =	vadd.f32 v15, v30  }
0x2d7: {  	v54 =	vsub.f32 v23, v27;
	[tilespmem:s12+$0x20] =	vst v61;
	vm14 =	vle.f32 v61, v0  }
0x2d8: {  	v53 =	vadd.f32 v18, v22;
	v63 =	vnsel vm14, $0xFFFFFFFF, v5;
	[tilespmem:s12+$0x30] =	vst v52  }
0x2d9: {  	v55 =	vadd.f32 v20, v54;
	v3 =	vnsel vm14, $0xFFFFFFFF, v3;
	[tilespmem:s11+$0x60] =	vst v63  }
0x2da: {  	v57 =	vsub.f32 v21, v12;
	[tilespmem:s11+$0xFFFFFFE0] =	vst v3;
	vm1 =	vle.f32 v53, v0  }
0x2db: {  	v56 =	vmul.f32 v55, v55;
	vm0 =	vle.f32 v52, v0;
	[tilespmem:s12+$0x10] =	vst v53;
	v6 =	vnsel vm1, $0xFFFFFFFF, v6  }
0x2dc: {  	v11 =	vnsel vm0, $0xFFFFFFFF, v11;
	[tilespmem:s11+$0xFFFFFFD0] =	vst v6;
	v6 =	vadd.f32 v10, v57  }
0x2dd: {  	v8 =	vnsel vm0, $0xFFFFFFFF, v8;
	v58 =	vadd.f32 v56, v28;
	[tilespmem:s11+$0x70] =	vst v11  }
0x2de: {  	[tilespmem:s11+$0xFFFFFFF0] =	vst v8;
	v4 =	vnsel vm1, $0xFFFFFFFF, v4;
	v59 =	vmul.f32 v6, v6  }
0x2df: {  	[tilespmem:s11+$0x50] =	vst v4;
	vm13 =	vle.f32 v58, v0  }
0x2e0: {  	[tilespmem:s12+$0xFFFFFFC0] =	vst v58;
	v60 =	vnsel vm13, $0xFFFFFFFF, v7;
	v4 =	vadd.f32 v59, v14  }
0x2e1: {  	v62 =	vnsel vm13, $0xFFFFFFFF, v9;
	[tilespmem:s11+$0x0] =	vst v60  }
0x2e2: {  	s17 =	sadd.s32 $0x1, s17;
	[tilespmem:s11+$0xFFFFFF80] =	vst v62;
	vm15 =	vle.f32 v4, v0  }
0x2e3: {  	p0 =	sne.s32 s17, s16;
	[tilespmem:s12+$0xFFFFFFF0] =	vst v4;
	v2 =	vnsel vm15, $0xFFFFFFFF, v2  }
.Ltmp5:
0x2e4: {  	v1 =	vnsel vm15, $0xFFFFFFFF, v1;
	[tilespmem:s11+$0x30] =	vst v2;
	(pc) =	sbr.rel @p0 .LBB2_8-.Ltmp5, $4  }
0x2e5: {  	s4 =	sadd.s32 s31, s9;
	s0 =	simm.s32 $0x1C000;
	[tilespmem:s11+$0xFFFFFFB0] =	vst v1  }
0x2e6: {  	[hbm4b:s4+s6] =	stream.linear.scatter [tilespmem:s0], [sflag:$0x4], $0x500, $0x38;
	[tilespmem:$0x1CF00] =	vst v63  }
0x2e7: {  	s20 =	sadd.s32 s22, s18;
	s21 =	simm.s32 $0x1C500  }
0x2e8: {  	[hbm4b:s20+s6] =	stream.linear.scatter [tilespmem:s21], [sflag:$0x4], $0xA00, $0x38;
	[tilespmem:$0x1CF00] =	vst v63  }
0x2e9: {  	_ =	swait.ge [sflag:s7], $0xA00  }
0x2ea: {  	[sflag:s7] =	ssyncset.done $0x0  }
0x2eb: {  	[sflag:s7] =	ssyncadd.s32 $0xFFFFF600  }
0x2ec: {  	_ =	swait.ge [sflag:s7], $0x500  }
0x2ed: {  	[sflag:s7] =	ssyncset.done $0x0  }
0x2ee: {  	[sflag:s7] =	ssyncadd.s32 $0xFFFFFB00  }
0x2ef: {  	_ =	swait.ge [sflag:s7], $0x500  }
0x2f0: {  	[sflag:s7] =	ssyncset.done $0x0  }
0x2f1: {  	s0 =	simm.s32 $0x3;
	[sflag:s7] =	ssyncadd.s32 $0xFFFFFB00  }
0x2f2: {  	_ =	swait.ge [sflag:s0], $0x500  }
0x2f3: {  	[sflag:s0] =	ssyncset.done $0x0  }
0x2f4: {  	[sflag:s0] =	ssyncadd.s32 $0xFFFFFB00  }
0x2f5: {  	_ =	swait.ge [sflag:s0], $0xA00  }
0x2f6: {  	[sflag:s0] =	ssyncset.done $0x0  }
0x2f7: {  	s4 =	simm.s32 $0x4;
	[sflag:s0] =	ssyncadd.s32 $0xFFFFF600  }
0x2f8: {  	_ =	swait.ge [sflag:s4], $0x500  }
0x2f9: {  	[sflag:s4] =	ssyncset.done $0x0  }
0x2fa: {  	[sflag:s4] =	ssyncadd.s32 $0xFFFFFB00  }
0x2fb: {  	_ =	swait.ge [sflag:s4], $0xA00  }
0x2fc: {  	s5 =	rddreg [dreg:$0x10]  }
0x2fd: {  	s21 =	rddreg [dreg:$0xf];
	s5 =	sadd.s32 $0x1, s5  }
0x2fe: {  	p0 =	sne.s32 s5, s21  }
.Ltmp6:
0x2ff: {  	_ = 	snop;
	(pc) =	sbr.rel @p0 .LBB2_1-.Ltmp6, $3  }
0x300: {  	_ =	sdelay $0x1  }
0x301: {  	[sflag:s4] =	ssyncset.done $0x0;
	s8 =	rddreg [dreg:$0xc]  }
0x302: {  	s20 =	rddreg [dreg:$0xd];
	[sflag:s4] =	ssyncadd.s32 $0xFFFFF600  }
0x303: {  	_ =	sfence.sel $0x180000  }
0x304: {  	[bflag:$0x0] =	sbarrier.arrive $0xFFFF  }
0x305: {  	_ =	strace $0x90000047  }
0x306: {  	s0 =	stileid.u32;
	[bflag:$0x2] =	sbarrier.arrive $0xFFFF  }
0x307: {  	p0 =	sne.s32 s0, $0x0;
	s0 =	rddreg [dreg:$0x5]  }
0x308: {  	s0 =	sadd.s32 @!p0 $0x100000, s0  }
0x309: {  	[sflag:s0] =	ssyncadd.tile.s32 @!p0 $0x1;
	_ =	shalt  }
.Lfunc_end2:
_tile_overlayer_lowered:
.L_overlay_start_2:
0x30a: {  	(tag) =	ssettag $0x2  }
0x30b: {  	s0 =	rddreg [dreg:$0x0];
	s2 =	stileid.u32  }
0x30c: {  	s1 =	rddreg [dreg:$0x1];
	p0 =	sne.s32 s2, $0x0  }
0x30d: {  	s3 =	rddreg [dreg:$0x2];
	[bflag:$0x3] =	sbarrier.arrive $0xFFFF;
	s2 =	simm.s32 @!p0 $0x1C05  }
0x30e: {  	[timem:s3], [sflag:s2] =	dma.local @!p0 [hbm:s0], s1  }
0x30f: {  	s0 =	simm.s32 @!p0 $0x5  }
0x310: {  	_ =	swait.ge @!p0 [sflag:s0], s1  }
0x311: {  	s1 =	ssub.s32 @!p0 $0x0, s1;
	[sflag:s0] =	ssyncset.done @!p0 $0x0  }
0x312: {  	[sflag:s0] =	ssyncadd.s32 @!p0 s1  }
0x313: {  	[bflag:$0x3] =	sbarrier.arrive $0xFFFF  }
0x314: {  	_ =	shalt  }

</sc_bundles>
